<compile_context>
chip_gen: v7x
topology: tpu7x:2x2x1
jax: 0.10.2.dev20260603
libtpu: 0.0.44.dev20260713+nightly
codegen_flags: <defaults>
</compile_context>

<pallas_src>
import functools

import jax
import jax.numpy as jnp
from jax import lax
from jax.experimental import pallas as pl
from jax.experimental.pallas import tpu as pltpu
from jax.experimental.pallas import tpu_sc as plsc

N_CORES = 2
N_TILES = 16
LANES = 16
CHUNK = 80


def _sc_partials(cols, rows, vals_rep, feats):
    n_nodes, d = feats.shape
    n_edges = cols.shape[0]
    epc = n_edges // N_CORES
    ept = epc // N_TILES
    nch = ept // CHUNK
    npt = ((n_nodes + N_TILES * 32 - 1) // (N_TILES * 32)) * 32
    n_pad = npt * N_TILES

    mesh = plsc.VectorSubcoreMesh(core_axis_name="c", subcore_axis_name="s")

    idx_t = pltpu.VMEM((CHUNK,), jnp.int32)
    val_t = pltpu.VMEM((CHUNK, LANES), jnp.float32)
    gath_t = pltpu.VMEM((CHUNK, d), jnp.float32)

    @functools.partial(
        pl.kernel,
        out_type=jax.ShapeDtypeStruct((N_CORES, n_pad, d), jnp.float32),
        mesh=mesh,
        scratch_types=[
            idx_t, idx_t,
            idx_t, idx_t,
            val_t, val_t,
            gath_t, gath_t,
            pltpu.VMEM_SHARED((n_pad, d), jnp.float32),
            pltpu.SemaphoreType.DMA, pltpu.SemaphoreType.DMA,
            pltpu.SemaphoreType.DMA, pltpu.SemaphoreType.DMA,
        ],
    )
    def k(cols_hbm, rows_hbm, vals_hbm, feats_hbm, out_hbm,
          col0, col1, row0, row1, val0, val1, g0, g1,
          acc_sh, si0, si1, sg0, sg1):
        cid = lax.axis_index("c")
        sid = lax.axis_index("s")
        col_v = (col0, col1)
        row_v = (row0, row1)
        val_v = (val0, val1)
        gath_v = (g0, g1)
        sem_i = (si0, si1)
        sem_g = (sg0, sg1)

        zero = jnp.zeros((LANES,), jnp.float32)
        n_w = npt // CHUNK

        def zrow(r, carry):
            for q in range(d // LANES):
                g0[r, pl.ds(q * LANES, LANES)] = zero
            return carry

        lax.fori_loop(0, CHUNK, zrow, 0)
        for w in range(n_w):
            pltpu.sync_copy(g0, acc_sh.at[pl.ds(sid * npt + w * CHUNK, CHUNK)])
        plsc.subcore_barrier()

        base = cid * epc + sid * ept

        def issue_idx(c, b):
            off = base + c * CHUNK
            pltpu.async_copy(cols_hbm.at[pl.ds(off, CHUNK)], col_v[b], sem_i[b])
            pltpu.async_copy(rows_hbm.at[pl.ds(off, CHUNK)], row_v[b], sem_i[b])
            pltpu.async_copy(vals_hbm.at[pl.ds(off, CHUNK)], val_v[b], sem_i[b])

        def wait_idx(b):
            d0 = pl.ds(0, CHUNK)
            pltpu.make_async_copy(cols_hbm.at[d0], col_v[b], sem_i[b]).wait()
            pltpu.make_async_copy(rows_hbm.at[d0], row_v[b], sem_i[b]).wait()
            pltpu.make_async_copy(vals_hbm.at[d0], val_v[b], sem_i[b]).wait()

        def scale_scatter(b):
            def scale(e, c2):
                v = val_v[b][e]
                for q in range(d // LANES):
                    gath_v[b][e, pl.ds(q * LANES, LANES)] = (
                        gath_v[b][e, pl.ds(q * LANES, LANES)] * v)
                return c2

            lax.fori_loop(0, CHUNK, scale, 0)
            pltpu.sync_copy(gath_v[b], acc_sh.at[row_v[b]], add=True)

        def issue_gather(c, b):
            del c
            pltpu.async_copy(feats_hbm.at[col_v[b]], gath_v[b], sem_g[b])

        def wait_gather(b):
            pltpu.make_async_copy(feats_hbm.at[col_v[b]], gath_v[b],
                                  sem_g[b]).wait()

        issue_idx(0, 0)

        def pipe(c2, carry):
            for b in range(2):
                c = 2 * c2 + b

                @pl.when(c < nch)
                def _(c=c, b=b):
                    wait_idx(b)
                    issue_gather(c, b)

                @pl.when(jnp.logical_and(c > 0, c <= nch))
                def _(c=c, b=b):
                    wait_gather(1 - b)
                    scale_scatter(1 - b)

                @pl.when(c + 1 < nch)
                def _(c=c, b=b):
                    issue_idx(c + 1, 1 - b)

            return carry

        lax.fori_loop(0, (nch + 2) // 2, pipe, 0)

        plsc.subcore_barrier()

        for w in range(n_w):
            off = pl.ds(sid * npt + w * CHUNK, CHUNK)
            pltpu.sync_copy(acc_sh.at[off], g0)
            pltpu.sync_copy(g0, out_hbm.at[cid, off])

    return k(cols, rows, vals_rep, feats)


def _tc_sum(p0, p1):
    n, d = p0.shape
    blk = 1000

    def body(a_ref, b_ref, o_ref):
        o_ref[...] = a_ref[...] + b_ref[...]

    spec = pl.BlockSpec((blk, d), lambda i: (i, 0))
    return pl.pallas_call(
        body,
        grid=(n // blk,),
        in_specs=[spec, spec],
        out_specs=spec,
        out_shape=jax.ShapeDtypeStruct((n, d), jnp.float32),
    )(p0, p1)


def kernel(adj_indices, adj_values, feats):
    n_nodes, d_feat = feats.shape
    n_edges = adj_values.shape[0]

    rows = adj_indices[0].astype(jnp.int32)
    cols = adj_indices[1].astype(jnp.int32)
    vals_rep = jnp.broadcast_to(adj_values[:, None], (n_edges, LANES))

    parts = _sc_partials(cols, rows, vals_rep, feats)
    return _tc_sum(parts[0, :n_nodes], parts[1, :n_nodes])

# --- scband reference (transcript-rebuilt; emitter-appended) ---
"""Pipeline reference for scband-light-graph-conv-19524921327938 (READ-ONLY COPY).

The authoritative reference and input builder live on the scoring server;
editing this copy changes nothing except your own understanding.
"""

import jax, jax.numpy as jnp
import numpy as np

N_NODES = 10000
N_EDGES = 320000
D_FEAT = 128

def setup_inputs(seed: int = 0) -> dict:
    key = jax.random.key(seed)
    k1, k2, k3 = jax.random.split(key, 3)
    adj_indices = jax.random.randint(k1, (2, N_EDGES), 0, N_NODES, dtype=jnp.int64)
    adj_values = jax.random.uniform(k2, (N_EDGES,), dtype=jnp.float32)
    feats = jax.random.normal(k3, (N_NODES, D_FEAT), dtype=jnp.float32)
    return {"adj_indices": adj_indices, "adj_values": adj_values, "feats": feats}

def reference(adj_indices, adj_values, feats):
    # torch.sparse.mm(adj, feats) with adj given as COO (indices, values):
    # out[r, :] = sum_{e: row[e]==r} values[e] * feats[col[e], :]
    row = adj_indices[0]
    col = adj_indices[1]
    gathered = jnp.take(feats, col, axis=0) * adj_values[:, None]
    out = jnp.zeros((feats.shape[0], feats.shape[1]), dtype=feats.dtype).at[row].add(gathered)
    return out

if __name__ == "__main__":
    import jax
    _d = setup_inputs()
    print(jax.jit(kernel)(*tuple(_d.values())))

</pallas_src>

<mosaic_0001>
#map = affine_map<(d0, d1) -> (0)>
#map1 = affine_map<(d0, d1) -> (0, 0)>
#map2 = affine_map<(d0, d1) -> (0, 0, 0)>
module attributes {stable_mosaic.version = 14 : i64} {
  func.func @k(%arg0: i32, %arg1: i32, %arg2: memref<320000xi32, #tpu.memory_space<hbm>>, %arg3: memref<320000xi32, #tpu.memory_space<hbm>>, %arg4: memref<320000x16xf32, #tpu.memory_space<hbm>>, %arg5: memref<10000x128xf32, #tpu.memory_space<hbm>>, %arg6: memref<2x10240x128xf32, #tpu.memory_space<hbm>>, %arg7: memref<80xi32, #tpu.memory_space<vmem>>, %arg8: memref<80xi32, #tpu.memory_space<vmem>>, %arg9: memref<80xi32, #tpu.memory_space<vmem>>, %arg10: memref<80xi32, #tpu.memory_space<vmem>>, %arg11: memref<80x16xf32, #tpu.memory_space<vmem>>, %arg12: memref<80x16xf32, #tpu.memory_space<vmem>>, %arg13: memref<80x128xf32, #tpu.memory_space<vmem>>, %arg14: memref<80x128xf32, #tpu.memory_space<vmem>>, %arg15: memref<10240x128xf32, #tpu.memory_space<vmem_shared>>, %arg16: memref<!tpu.dma_semaphore, #tpu.memory_space<semaphore_mem>>, %arg17: memref<!tpu.dma_semaphore, #tpu.memory_space<semaphore_mem>>, %arg18: memref<!tpu.dma_semaphore, #tpu.memory_space<semaphore_mem>>, %arg19: memref<!tpu.dma_semaphore, #tpu.memory_space<semaphore_mem>>) attributes {dimension_semantics = [#tpu.dimension_semantics<core_parallel>, #tpu.dimension_semantics<subcore_parallel>], iteration_bounds = array<i64: 2, 16>, scalar_prefetch = 0 : i64, scratch_operands = 13 : i64, tpu.core_type = #tpu.core_type<sc_vector_subcore>, window_params = [{transform_indices = #map}, {transform_indices = #map}, {transform_indices = #map1}, {transform_indices = #map1}, {transform_indices = #map2}]} {
    %broadcast_in_dim3A = arith.constant 0.000000e+00 : f32
    %broadcast_in_dim3A_0 = vector.broadcast %broadcast_in_dim3A : f32 to vector<16xf32>
    %scan3A = arith.constant 0 : i32
    %scan3A_1 = arith.constant 0 : i32
    %scan3A_2 = arith.constant 80 : i32
    %scan3A_3 = arith.addi %scan3A_1, %scan3A_2 : i32
    %scan3A_4 = arith.constant 1 : i32
    scf.for %scan3A_89 = %scan3A_1 to %scan3A_3 step %scan3A_4  : i32 {
      %swap3A = arith.index_cast %scan3A_89 : i32 to index
      %swap3A_90 = arith.constant 0 : index
      %swap3A_91 = tpu.vector_load %arg13[%swap3A, %swap3A_90] {strides = array<i32>} : memref<80x128xf32, #tpu.memory_space<vmem>>, vector<1x16xf32>,
      %swap3A_92 = vector.shape_cast %swap3A_91 : vector<1x16xf32> to vector<16xf32>
      %swap3A_93 = vector.shape_cast %broadcast_in_dim3A_0 : vector<16xf32> to vector<1x16xf32>
      tpu.vector_store %arg13[%swap3A, %swap3A_90], %swap3A_93 {strides = array<i32>} : memref<80x128xf32, #tpu.memory_space<vmem>>, vector<1x16xf32>,
      %swap3A_94 = arith.index_cast %scan3A_89 : i32 to index
      %swap3A_95 = arith.constant 16 : index
      %swap3A_96 = tpu.vector_load %arg13[%swap3A_94, %swap3A_95] {strides = array<i32>} : memref<80x128xf32, #tpu.memory_space<vmem>>, vector<1x16xf32>,
      %swap3A_97 = vector.shape_cast %swap3A_96 : vector<1x16xf32> to vector<16xf32>
      %swap3A_98 = vector.shape_cast %broadcast_in_dim3A_0 : vector<16xf32> to vector<1x16xf32>
      tpu.vector_store %arg13[%swap3A_94, %swap3A_95], %swap3A_98 {strides = array<i32>} : memref<80x128xf32, #tpu.memory_space<vmem>>, vector<1x16xf32>,
      %swap3A_99 = arith.index_cast %scan3A_89 : i32 to index
      %swap3A_100 = arith.constant 32 : index
      %swap3A_101 = tpu.vector_load %arg13[%swap3A_99, %swap3A_100] {strides = array<i32>} : memref<80x128xf32, #tpu.memory_space<vmem>>, vector<1x16xf32>,
      %swap3A_102 = vector.shape_cast %swap3A_101 : vector<1x16xf32> to vector<16xf32>
      %swap3A_103 = vector.shape_cast %broadcast_in_dim3A_0 : vector<16xf32> to vector<1x16xf32>
      tpu.vector_store %arg13[%swap3A_99, %swap3A_100], %swap3A_103 {strides = array<i32>} : memref<80x128xf32, #tpu.memory_space<vmem>>, vector<1x16xf32>,
      %swap3A_104 = arith.index_cast %scan3A_89 : i32 to index
      %swap3A_105 = arith.constant 48 : index
      %swap3A_106 = tpu.vector_load %arg13[%swap3A_104, %swap3A_105] {strides = array<i32>} : memref<80x128xf32, #tpu.memory_space<vmem>>, vector<1x16xf32>,
      %swap3A_107 = vector.shape_cast %swap3A_106 : vector<1x16xf32> to vector<16xf32>
      %swap3A_108 = vector.shape_cast %broadcast_in_dim3A_0 : vector<16xf32> to vector<1x16xf32>
      tpu.vector_store %arg13[%swap3A_104, %swap3A_105], %swap3A_108 {strides = array<i32>} : memref<80x128xf32, #tpu.memory_space<vmem>>, vector<1x16xf32>,
      %swap3A_109 = arith.index_cast %scan3A_89 : i32 to index
      %swap3A_110 = arith.constant 64 : index
      %swap3A_111 = tpu.vector_load %arg13[%swap3A_109, %swap3A_110] {strides = array<i32>} : memref<80x128xf32, #tpu.memory_space<vmem>>, vector<1x16xf32>,
      %swap3A_112 = vector.shape_cast %swap3A_111 : vector<1x16xf32> to vector<16xf32>
      %swap3A_113 = vector.shape_cast %broadcast_in_dim3A_0 : vector<16xf32> to vector<1x16xf32>
      tpu.vector_store %arg13[%swap3A_109, %swap3A_110], %swap3A_113 {strides = array<i32>} : memref<80x128xf32, #tpu.memory_space<vmem>>, vector<1x16xf32>,
      %swap3A_114 = arith.index_cast %scan3A_89 : i32 to index
      %swap3A_115 = arith.constant 80 : index
      %swap3A_116 = tpu.vector_load %arg13[%swap3A_114, %swap3A_115] {strides = array<i32>} : memref<80x128xf32, #tpu.memory_space<vmem>>, vector<1x16xf32>,
      %swap3A_117 = vector.shape_cast %swap3A_116 : vector<1x16xf32> to vector<16xf32>
      %swap3A_118 = vector.shape_cast %broadcast_in_dim3A_0 : vector<16xf32> to vector<1x16xf32>
      tpu.vector_store %arg13[%swap3A_114, %swap3A_115], %swap3A_118 {strides = array<i32>} : memref<80x128xf32, #tpu.memory_space<vmem>>, vector<1x16xf32>,
      %swap3A_119 = arith.index_cast %scan3A_89 : i32 to index
      %swap3A_120 = arith.constant 96 : index
      %swap3A_121 = tpu.vector_load %arg13[%swap3A_119, %swap3A_120] {strides = array<i32>} : memref<80x128xf32, #tpu.memory_space<vmem>>, vector<1x16xf32>,
      %swap3A_122 = vector.shape_cast %swap3A_121 : vector<1x16xf32> to vector<16xf32>
      %swap3A_123 = vector.shape_cast %broadcast_in_dim3A_0 : vector<16xf32> to vector<1x16xf32>
      tpu.vector_store %arg13[%swap3A_119, %swap3A_120], %swap3A_123 {strides = array<i32>} : memref<80x128xf32, #tpu.memory_space<vmem>>, vector<1x16xf32>,
      %swap3A_124 = arith.index_cast %scan3A_89 : i32 to index
      %swap3A_125 = arith.constant 112 : index
      %swap3A_126 = tpu.vector_load %arg13[%swap3A_124, %swap3A_125] {strides = array<i32>} : memref<80x128xf32, #tpu.memory_space<vmem>>, vector<1x16xf32>,
      %swap3A_127 = vector.shape_cast %swap3A_126 : vector<1x16xf32> to vector<16xf32>
      %swap3A_128 = vector.shape_cast %broadcast_in_dim3A_0 : vector<16xf32> to vector<1x16xf32>
      tpu.vector_store %arg13[%swap3A_124, %swap3A_125], %swap3A_128 {strides = array<i32>} : memref<80x128xf32, #tpu.memory_space<vmem>>, vector<1x16xf32>,
    }
    %scan3A_5 = arith.constant 80 : i32
    %mul3A = arith.constant 640 : i32
    %mul3A_6 = arith.muli %arg1, %mul3A : i32
    %add3A = arith.constant 0 : i32
    %add3A_7 = arith.addi %mul3A_6, %add3A : i32
    "tpu.region"() ({
      %run_scoped3A = tpu.sem_alloc : memref<!tpu.dma_semaphore, #tpu.memory_space<semaphore_mem>>
      %dma_start3A_89 = arith.constant 0 : i32
      %dma_start3A_90 = tpu.memref_slice %arg15[%add3A_7, %dma_start3A_89] : memref<10240x128xf32, #tpu.memory_space<vmem_shared>> -> memref<80x128xf32, #tpu.memory_space<vmem_shared>>
      %dma_start3A_91 = arith.constant 0 : i32
      %dma_start3A_92 = tpu.memref_slice %arg15[%add3A_7, %dma_start3A_91] : memref<10240x128xf32, #tpu.memory_space<vmem_shared>> -> memref<80x128xf32, #tpu.memory_space<vmem_shared>>
      tpu.enqueue_dma source(%arg13 : memref<80x128xf32, #tpu.memory_space<vmem>>) target(%dma_start3A_92 : memref<80x128xf32, #tpu.memory_space<vmem_shared>>) target_semaphore(%run_scoped3A : memref<!tpu.dma_semaphore, #tpu.memory_space<semaphore_mem>>)
      %dma_wait3A = arith.constant 0 : i32
      %dma_wait3A_93 = tpu.memref_slice %arg15[%add3A_7, %dma_wait3A] : memref<10240x128xf32, #tpu.memory_space<vmem_shared>> -> memref<80x128xf32, #tpu.memory_space<vmem_shared>>
      %dma_wait3A_94 = arith.constant 0 : i32
      %dma_wait3A_95 = tpu.memref_slice %arg15[%add3A_7, %dma_wait3A_94] : memref<10240x128xf32, #tpu.memory_space<vmem_shared>> -> memref<80x128xf32, #tpu.memory_space<vmem_shared>>
      tpu.wait_dma2 semaphore(%run_scoped3A : memref<!tpu.dma_semaphore, #tpu.memory_space<semaphore_mem>>) src(%arg13 : memref<80x128xf32, #tpu.memory_space<vmem>>) dst(%dma_wait3A_95 : memref<80x128xf32, #tpu.memory_space<vmem_shared>>)
      tpu.yield
    }) : () -> ()
    %mul3A_8 = arith.constant 640 : i32
    %mul3A_9 = arith.muli %arg1, %mul3A_8 : i32
    %add3A_10 = arith.constant 80 : i32
    %add3A_11 = arith.addi %mul3A_9, %add3A_10 : i32
    "tpu.region"() ({
      %run_scoped3A = tpu.sem_alloc : memref<!tpu.dma_semaphore, #tpu.memory_space<semaphore_mem>>
      %dma_start3A_89 = arith.constant 0 : i32
      %dma_start3A_90 = tpu.memref_slice %arg15[%add3A_11, %dma_start3A_89] : memref<10240x128xf32, #tpu.memory_space<vmem_shared>> -> memref<80x128xf32, #tpu.memory_space<vmem_shared>>
      %dma_start3A_91 = arith.constant 0 : i32
      %dma_start3A_92 = tpu.memref_slice %arg15[%add3A_11, %dma_start3A_91] : memref<10240x128xf32, #tpu.memory_space<vmem_shared>> -> memref<80x128xf32, #tpu.memory_space<vmem_shared>>
      tpu.enqueue_dma source(%arg13 : memref<80x128xf32, #tpu.memory_space<vmem>>) target(%dma_start3A_92 : memref<80x128xf32, #tpu.memory_space<vmem_shared>>) target_semaphore(%run_scoped3A : memref<!tpu.dma_semaphore, #tpu.memory_space<semaphore_mem>>)
      %dma_wait3A = arith.constant 0 : i32
      %dma_wait3A_93 = tpu.memref_slice %arg15[%add3A_11, %dma_wait3A] : memref<10240x128xf32, #tpu.memory_space<vmem_shared>> -> memref<80x128xf32, #tpu.memory_space<vmem_shared>>
      %dma_wait3A_94 = arith.constant 0 : i32
      %dma_wait3A_95 = tpu.memref_slice %arg15[%add3A_11, %dma_wait3A_94] : memref<10240x128xf32, #tpu.memory_space<vmem_shared>> -> memref<80x128xf32, #tpu.memory_space<vmem_shared>>
      tpu.wait_dma2 semaphore(%run_scoped3A : memref<!tpu.dma_semaphore, #tpu.memory_space<semaphore_mem>>) src(%arg13 : memref<80x128xf32, #tpu.memory_space<vmem>>) dst(%dma_wait3A_95 : memref<80x128xf32, #tpu.memory_space<vmem_shared>>)
      tpu.yield
    }) : () -> ()
    %mul3A_12 = arith.constant 640 : i32
    %mul3A_13 = arith.muli %arg1, %mul3A_12 : i32
    %add3A_14 = arith.constant 160 : i32
    %add3A_15 = arith.addi %mul3A_13, %add3A_14 : i32
    "tpu.region"() ({
      %run_scoped3A = tpu.sem_alloc : memref<!tpu.dma_semaphore, #tpu.memory_space<semaphore_mem>>
      %dma_start3A_89 = arith.constant 0 : i32
      %dma_start3A_90 = tpu.memref_slice %arg15[%add3A_15, %dma_start3A_89] : memref<10240x128xf32, #tpu.memory_space<vmem_shared>> -> memref<80x128xf32, #tpu.memory_space<vmem_shared>>
      %dma_start3A_91 = arith.constant 0 : i32
      %dma_start3A_92 = tpu.memref_slice %arg15[%add3A_15, %dma_start3A_91] : memref<10240x128xf32, #tpu.memory_space<vmem_shared>> -> memref<80x128xf32, #tpu.memory_space<vmem_shared>>
      tpu.enqueue_dma source(%arg13 : memref<80x128xf32, #tpu.memory_space<vmem>>) target(%dma_start3A_92 : memref<80x128xf32, #tpu.memory_space<vmem_shared>>) target_semaphore(%run_scoped3A : memref<!tpu.dma_semaphore, #tpu.memory_space<semaphore_mem>>)
      %dma_wait3A = arith.constant 0 : i32
      %dma_wait3A_93 = tpu.memref_slice %arg15[%add3A_15, %dma_wait3A] : memref<10240x128xf32, #tpu.memory_space<vmem_shared>> -> memref<80x128xf32, #tpu.memory_space<vmem_shared>>
      %dma_wait3A_94 = arith.constant 0 : i32
      %dma_wait3A_95 = tpu.memref_slice %arg15[%add3A_15, %dma_wait3A_94] : memref<10240x128xf32, #tpu.memory_space<vmem_shared>> -> memref<80x128xf32, #tpu.memory_space<vmem_shared>>
      tpu.wait_dma2 semaphore(%run_scoped3A : memref<!tpu.dma_semaphore, #tpu.memory_space<semaphore_mem>>) src(%arg13 : memref<80x128xf32, #tpu.memory_space<vmem>>) dst(%dma_wait3A_95 : memref<80x128xf32, #tpu.memory_space<vmem_shared>>)
      tpu.yield
    }) : () -> ()
    %mul3A_16 = arith.constant 640 : i32
    %mul3A_17 = arith.muli %arg1, %mul3A_16 : i32
    %add3A_18 = arith.constant 240 : i32
    %add3A_19 = arith.addi %mul3A_17, %add3A_18 : i32
    "tpu.region"() ({
      %run_scoped3A = tpu.sem_alloc : memref<!tpu.dma_semaphore, #tpu.memory_space<semaphore_mem>>
      %dma_start3A_89 = arith.constant 0 : i32
      %dma_start3A_90 = tpu.memref_slice %arg15[%add3A_19, %dma_start3A_89] : memref<10240x128xf32, #tpu.memory_space<vmem_shared>> -> memref<80x128xf32, #tpu.memory_space<vmem_shared>>
      %dma_start3A_91 = arith.constant 0 : i32
      %dma_start3A_92 = tpu.memref_slice %arg15[%add3A_19, %dma_start3A_91] : memref<10240x128xf32, #tpu.memory_space<vmem_shared>> -> memref<80x128xf32, #tpu.memory_space<vmem_shared>>
      tpu.enqueue_dma source(%arg13 : memref<80x128xf32, #tpu.memory_space<vmem>>) target(%dma_start3A_92 : memref<80x128xf32, #tpu.memory_space<vmem_shared>>) target_semaphore(%run_scoped3A : memref<!tpu.dma_semaphore, #tpu.memory_space<semaphore_mem>>)
      %dma_wait3A = arith.constant 0 : i32
      %dma_wait3A_93 = tpu.memref_slice %arg15[%add3A_19, %dma_wait3A] : memref<10240x128xf32, #tpu.memory_space<vmem_shared>> -> memref<80x128xf32, #tpu.memory_space<vmem_shared>>
      %dma_wait3A_94 = arith.constant 0 : i32
      %dma_wait3A_95 = tpu.memref_slice %arg15[%add3A_19, %dma_wait3A_94] : memref<10240x128xf32, #tpu.memory_space<vmem_shared>> -> memref<80x128xf32, #tpu.memory_space<vmem_shared>>
      tpu.wait_dma2 semaphore(%run_scoped3A : memref<!tpu.dma_semaphore, #tpu.memory_space<semaphore_mem>>) src(%arg13 : memref<80x128xf32, #tpu.memory_space<vmem>>) dst(%dma_wait3A_95 : memref<80x128xf32, #tpu.memory_space<vmem_shared>>)
      tpu.yield
    }) : () -> ()
    %mul3A_20 = arith.constant 640 : i32
    %mul3A_21 = arith.muli %arg1, %mul3A_20 : i32
    %add3A_22 = arith.constant 320 : i32
    %add3A_23 = arith.addi %mul3A_21, %add3A_22 : i32
    "tpu.region"() ({
      %run_scoped3A = tpu.sem_alloc : memref<!tpu.dma_semaphore, #tpu.memory_space<semaphore_mem>>
      %dma_start3A_89 = arith.constant 0 : i32
      %dma_start3A_90 = tpu.memref_slice %arg15[%add3A_23, %dma_start3A_89] : memref<10240x128xf32, #tpu.memory_space<vmem_shared>> -> memref<80x128xf32, #tpu.memory_space<vmem_shared>>
      %dma_start3A_91 = arith.constant 0 : i32
      %dma_start3A_92 = tpu.memref_slice %arg15[%add3A_23, %dma_start3A_91] : memref<10240x128xf32, #tpu.memory_space<vmem_shared>> -> memref<80x128xf32, #tpu.memory_space<vmem_shared>>
      tpu.enqueue_dma source(%arg13 : memref<80x128xf32, #tpu.memory_space<vmem>>) target(%dma_start3A_92 : memref<80x128xf32, #tpu.memory_space<vmem_shared>>) target_semaphore(%run_scoped3A : memref<!tpu.dma_semaphore, #tpu.memory_space<semaphore_mem>>)
      %dma_wait3A = arith.constant 0 : i32
      %dma_wait3A_93 = tpu.memref_slice %arg15[%add3A_23, %dma_wait3A] : memref<10240x128xf32, #tpu.memory_space<vmem_shared>> -> memref<80x128xf32, #tpu.memory_space<vmem_shared>>
      %dma_wait3A_94 = arith.constant 0 : i32
      %dma_wait3A_95 = tpu.memref_slice %arg15[%add3A_23, %dma_wait3A_94] : memref<10240x128xf32, #tpu.memory_space<vmem_shared>> -> memref<80x128xf32, #tpu.memory_space<vmem_shared>>
      tpu.wait_dma2 semaphore(%run_scoped3A : memref<!tpu.dma_semaphore, #tpu.memory_space<semaphore_mem>>) src(%arg13 : memref<80x128xf32, #tpu.memory_space<vmem>>) dst(%dma_wait3A_95 : memref<80x128xf32, #tpu.memory_space<vmem_shared>>)
      tpu.yield
    }) : () -> ()
    %mul3A_24 = arith.constant 640 : i32
    %mul3A_25 = arith.muli %arg1, %mul3A_24 : i32
    %add3A_26 = arith.constant 400 : i32
    %add3A_27 = arith.addi %mul3A_25, %add3A_26 : i32
    "tpu.region"() ({
      %run_scoped3A = tpu.sem_alloc : memref<!tpu.dma_semaphore, #tpu.memory_space<semaphore_mem>>
      %dma_start3A_89 = arith.constant 0 : i32
      %dma_start3A_90 = tpu.memref_slice %arg15[%add3A_27, %dma_start3A_89] : memref<10240x128xf32, #tpu.memory_space<vmem_shared>> -> memref<80x128xf32, #tpu.memory_space<vmem_shared>>
      %dma_start3A_91 = arith.constant 0 : i32
      %dma_start3A_92 = tpu.memref_slice %arg15[%add3A_27, %dma_start3A_91] : memref<10240x128xf32, #tpu.memory_space<vmem_shared>> -> memref<80x128xf32, #tpu.memory_space<vmem_shared>>
      tpu.enqueue_dma source(%arg13 : memref<80x128xf32, #tpu.memory_space<vmem>>) target(%dma_start3A_92 : memref<80x128xf32, #tpu.memory_space<vmem_shared>>) target_semaphore(%run_scoped3A : memref<!tpu.dma_semaphore, #tpu.memory_space<semaphore_mem>>)
      %dma_wait3A = arith.constant 0 : i32
      %dma_wait3A_93 = tpu.memref_slice %arg15[%add3A_27, %dma_wait3A] : memref<10240x128xf32, #tpu.memory_space<vmem_shared>> -> memref<80x128xf32, #tpu.memory_space<vmem_shared>>
      %dma_wait3A_94 = arith.constant 0 : i32
      %dma_wait3A_95 = tpu.memref_slice %arg15[%add3A_27, %dma_wait3A_94] : memref<10240x128xf32, #tpu.memory_space<vmem_shared>> -> memref<80x128xf32, #tpu.memory_space<vmem_shared>>
      tpu.wait_dma2 semaphore(%run_scoped3A : memref<!tpu.dma_semaphore, #tpu.memory_space<semaphore_mem>>) src(%arg13 : memref<80x128xf32, #tpu.memory_space<vmem>>) dst(%dma_wait3A_95 : memref<80x128xf32, #tpu.memory_space<vmem_shared>>)
      tpu.yield
    }) : () -> ()
    %mul3A_28 = arith.constant 640 : i32
    %mul3A_29 = arith.muli %arg1, %mul3A_28 : i32
    %add3A_30 = arith.constant 480 : i32
    %add3A_31 = arith.addi %mul3A_29, %add3A_30 : i32
    "tpu.region"() ({
      %run_scoped3A = tpu.sem_alloc : memref<!tpu.dma_semaphore, #tpu.memory_space<semaphore_mem>>
      %dma_start3A_89 = arith.constant 0 : i32
      %dma_start3A_90 = tpu.memref_slice %arg15[%add3A_31, %dma_start3A_89] : memref<10240x128xf32, #tpu.memory_space<vmem_shared>> -> memref<80x128xf32, #tpu.memory_space<vmem_shared>>
      %dma_start3A_91 = arith.constant 0 : i32
      %dma_start3A_92 = tpu.memref_slice %arg15[%add3A_31, %dma_start3A_91] : memref<10240x128xf32, #tpu.memory_space<vmem_shared>> -> memref<80x128xf32, #tpu.memory_space<vmem_shared>>
      tpu.enqueue_dma source(%arg13 : memref<80x128xf32, #tpu.memory_space<vmem>>) target(%dma_start3A_92 : memref<80x128xf32, #tpu.memory_space<vmem_shared>>) target_semaphore(%run_scoped3A : memref<!tpu.dma_semaphore, #tpu.memory_space<semaphore_mem>>)
      %dma_wait3A = arith.constant 0 : i32
      %dma_wait3A_93 = tpu.memref_slice %arg15[%add3A_31, %dma_wait3A] : memref<10240x128xf32, #tpu.memory_space<vmem_shared>> -> memref<80x128xf32, #tpu.memory_space<vmem_shared>>
      %dma_wait3A_94 = arith.constant 0 : i32
      %dma_wait3A_95 = tpu.memref_slice %arg15[%add3A_31, %dma_wait3A_94] : memref<10240x128xf32, #tpu.memory_space<vmem_shared>> -> memref<80x128xf32, #tpu.memory_space<vmem_shared>>
      tpu.wait_dma2 semaphore(%run_scoped3A : memref<!tpu.dma_semaphore, #tpu.memory_space<semaphore_mem>>) src(%arg13 : memref<80x128xf32, #tpu.memory_space<vmem>>) dst(%dma_wait3A_95 : memref<80x128xf32, #tpu.memory_space<vmem_shared>>)
      tpu.yield
    }) : () -> ()
    %mul3A_32 = arith.constant 640 : i32
    %mul3A_33 = arith.muli %arg1, %mul3A_32 : i32
    %add3A_34 = arith.constant 560 : i32
    %add3A_35 = arith.addi %mul3A_33, %add3A_34 : i32
    "tpu.region"() ({
      %run_scoped3A = tpu.sem_alloc : memref<!tpu.dma_semaphore, #tpu.memory_space<semaphore_mem>>
      %dma_start3A_89 = arith.constant 0 : i32
      %dma_start3A_90 = tpu.memref_slice %arg15[%add3A_35, %dma_start3A_89] : memref<10240x128xf32, #tpu.memory_space<vmem_shared>> -> memref<80x128xf32, #tpu.memory_space<vmem_shared>>
      %dma_start3A_91 = arith.constant 0 : i32
      %dma_start3A_92 = tpu.memref_slice %arg15[%add3A_35, %dma_start3A_91] : memref<10240x128xf32, #tpu.memory_space<vmem_shared>> -> memref<80x128xf32, #tpu.memory_space<vmem_shared>>
      tpu.enqueue_dma source(%arg13 : memref<80x128xf32, #tpu.memory_space<vmem>>) target(%dma_start3A_92 : memref<80x128xf32, #tpu.memory_space<vmem_shared>>) target_semaphore(%run_scoped3A : memref<!tpu.dma_semaphore, #tpu.memory_space<semaphore_mem>>)
      %dma_wait3A = arith.constant 0 : i32
      %dma_wait3A_93 = tpu.memref_slice %arg15[%add3A_35, %dma_wait3A] : memref<10240x128xf32, #tpu.memory_space<vmem_shared>> -> memref<80x128xf32, #tpu.memory_space<vmem_shared>>
      %dma_wait3A_94 = arith.constant 0 : i32
      %dma_wait3A_95 = tpu.memref_slice %arg15[%add3A_35, %dma_wait3A_94] : memref<10240x128xf32, #tpu.memory_space<vmem_shared>> -> memref<80x128xf32, #tpu.memory_space<vmem_shared>>
      tpu.wait_dma2 semaphore(%run_scoped3A : memref<!tpu.dma_semaphore, #tpu.memory_space<semaphore_mem>>) src(%arg13 : memref<80x128xf32, #tpu.memory_space<vmem>>) dst(%dma_wait3A_95 : memref<80x128xf32, #tpu.memory_space<vmem_shared>>)
      tpu.yield
    }) : () -> ()
    %barrier3A = arith.constant 0 : index
    tpu.barrier barrier_id(%barrier3A)
    %mul3A_36 = arith.constant 160000 : i32
    %mul3A_37 = arith.muli %arg0, %mul3A_36 : i32
    %mul3A_38 = arith.constant 10000 : i32
    %mul3A_39 = arith.muli %arg1, %mul3A_38 : i32
    %add3A_40 = arith.addi %mul3A_37, %mul3A_39 : i32
    %add3A_41 = arith.constant 0 : i32
    %add3A_42 = arith.addi %add3A_40, %add3A_41 : i32
    %dma_start3A = tpu.memref_slice %arg2[%add3A_42] : memref<320000xi32, #tpu.memory_space<hbm>> -> memref<80xi32, #tpu.memory_space<hbm>>
    %dma_start3A_43 = tpu.memref_slice %arg2[%add3A_42] : memref<320000xi32, #tpu.memory_space<hbm>> -> memref<80xi32, #tpu.memory_space<hbm>>
    tpu.enqueue_dma source(%dma_start3A_43 : memref<80xi32, #tpu.memory_space<hbm>>) target(%arg7 : memref<80xi32, #tpu.memory_space<vmem>>) target_semaphore(%arg16 : memref<!tpu.dma_semaphore, #tpu.memory_space<semaphore_mem>>)
    %dma_start3A_44 = tpu.memref_slice %arg3[%add3A_42] : memref<320000xi32, #tpu.memory_space<hbm>> -> memref<80xi32, #tpu.memory_space<hbm>>
    %dma_start3A_45 = tpu.memref_slice %arg3[%add3A_42] : memref<320000xi32, #tpu.memory_space<hbm>> -> memref<80xi32, #tpu.memory_space<hbm>>
    tpu.enqueue_dma source(%dma_start3A_45 : memref<80xi32, #tpu.memory_space<hbm>>) target(%arg9 : memref<80xi32, #tpu.memory_space<vmem>>) target_semaphore(%arg16 : memref<!tpu.dma_semaphore, #tpu.memory_space<semaphore_mem>>)
    %dma_start3A_46 = arith.constant 0 : i32
    %dma_start3A_47 = tpu.memref_slice %arg4[%add3A_42, %dma_start3A_46] : memref<320000x16xf32, #tpu.memory_space<hbm>> -> memref<80x16xf32, #tpu.memory_space<hbm>>
    %dma_start3A_48 = arith.constant 0 : i32
    %dma_start3A_49 = tpu.memref_slice %arg4[%add3A_42, %dma_start3A_48] : memref<320000x16xf32, #tpu.memory_space<hbm>> -> memref<80x16xf32, #tpu.memory_space<hbm>>
    tpu.enqueue_dma source(%dma_start3A_49 : memref<80x16xf32, #tpu.memory_space<hbm>>) target(%arg11 : memref<80x16xf32, #tpu.memory_space<vmem>>) target_semaphore(%arg16 : memref<!tpu.dma_semaphore, #tpu.memory_space<semaphore_mem>>)
    %scan3A_50 = arith.constant 0 : i32
    %scan3A_51 = arith.constant 0 : i32
    %scan3A_52 = arith.constant 63 : i32
    %scan3A_53 = arith.addi %scan3A_51, %scan3A_52 : i32
    %scan3A_54 = arith.constant 1 : i32
    scf.for %scan3A_89 = %scan3A_51 to %scan3A_53 step %scan3A_54  : i32 {
      %mul3A_90 = arith.constant 2 : i32
      %mul3A_91 = arith.muli %mul3A_90, %scan3A_89 : i32
      %add3A_92 = arith.constant 0 : i32
      %add3A_93 = arith.addi %mul3A_91, %add3A_92 : i32
      %lt3A = arith.constant 125 : i32
      %lt3A_94 = arith.cmpi slt, %add3A_93, %lt3A : i32
      %convert_element_type3A = arith.extui %lt3A_94 : i1 to i32
      %cond3A = arith.constant 0 : i32
      %cond3A_95 = arith.cmpi ne, %convert_element_type3A, %cond3A : i32
      scf.if %cond3A_95 {
        %dma_wait3A = arith.constant 0 : i32
        %dma_wait3A_132 = tpu.memref_slice %arg2[%dma_wait3A] : memref<320000xi32, #tpu.memory_space<hbm>> -> memref<80xi32, #tpu.memory_space<hbm>>
        %dma_wait3A_133 = arith.constant 0 : i32
        %dma_wait3A_134 = tpu.memref_slice %arg2[%dma_wait3A_133] : memref<320000xi32, #tpu.memory_space<hbm>> -> memref<80xi32, #tpu.memory_space<hbm>>
        tpu.wait_dma2 semaphore(%arg16 : memref<!tpu.dma_semaphore, #tpu.memory_space<semaphore_mem>>) src(%dma_wait3A_134 : memref<80xi32, #tpu.memory_space<hbm>>) dst(%arg7 : memref<80xi32, #tpu.memory_space<vmem>>)
        %dma_wait3A_135 = arith.constant 0 : i32
        %dma_wait3A_136 = tpu.memref_slice %arg3[%dma_wait3A_135] : memref<320000xi32, #tpu.memory_space<hbm>> -> memref<80xi32, #tpu.memory_space<hbm>>
        %dma_wait3A_137 = arith.constant 0 : i32
        %dma_wait3A_138 = tpu.memref_slice %arg3[%dma_wait3A_137] : memref<320000xi32, #tpu.memory_space<hbm>> -> memref<80xi32, #tpu.memory_space<hbm>>
        tpu.wait_dma2 semaphore(%arg16 : memref<!tpu.dma_semaphore, #tpu.memory_space<semaphore_mem>>) src(%dma_wait3A_138 : memref<80xi32, #tpu.memory_space<hbm>>) dst(%arg9 : memref<80xi32, #tpu.memory_space<vmem>>)
        %dma_wait3A_139 = arith.constant 0 : i32
        %dma_wait3A_140 = arith.constant 0 : i32
        %dma_wait3A_141 = tpu.memref_slice %arg4[%dma_wait3A_139, %dma_wait3A_140] : memref<320000x16xf32, #tpu.memory_space<hbm>> -> memref<80x16xf32, #tpu.memory_space<hbm>>
        %dma_wait3A_142 = arith.constant 0 : i32
        %dma_wait3A_143 = arith.constant 0 : i32
        %dma_wait3A_144 = tpu.memref_slice %arg4[%dma_wait3A_142, %dma_wait3A_143] : memref<320000x16xf32, #tpu.memory_space<hbm>> -> memref<80x16xf32, #tpu.memory_space<hbm>>
        tpu.wait_dma2 semaphore(%arg16 : memref<!tpu.dma_semaphore, #tpu.memory_space<semaphore_mem>>) src(%dma_wait3A_144 : memref<80x16xf32, #tpu.memory_space<hbm>>) dst(%arg11 : memref<80x16xf32, #tpu.memory_space<vmem>>)
        %dma_start3A_145 = arith.constant 0 : i32
        %dma_start3A_146 = arith.constant 0 : i32
        %dma_start3A_147 = tpu.memref_slice %arg5[%dma_start3A_145, %dma_start3A_146] : memref<10000x128xf32, #tpu.memory_space<hbm>> -> memref<10000x128xf32, #tpu.memory_space<hbm>>
        tpu.enqueue_indirect_dma source(%dma_start3A_147 : memref<10000x128xf32, #tpu.memory_space<hbm>>) target(%arg13 : memref<80x128xf32, #tpu.memory_space<vmem>>) offsets(%arg7 : memref<80xi32, #tpu.memory_space<vmem>>) semaphore(%arg18 : memref<!tpu.dma_semaphore, #tpu.memory_space<semaphore_mem>>)
      } else {
      }
      %gt3A = arith.constant 0 : i32
      %gt3A_96 = arith.cmpi sgt, %add3A_93, %gt3A : i32
      %le3A = arith.constant 125 : i32
      %le3A_97 = arith.cmpi sle, %add3A_93, %le3A : i32
      %and3A = arith.andi %gt3A_96, %le3A_97 : i1
      %convert_element_type3A_98 = arith.extui %and3A : i1 to i32
      %cond3A_99 = arith.constant 0 : i32
      %cond3A_100 = arith.cmpi ne, %convert_element_type3A_98, %cond3A_99 : i32
      scf.if %cond3A_100 {
        %dma_wait3A = arith.constant 0 : i32
        %dma_wait3A_132 = arith.constant 0 : i32
        %dma_wait3A_133 = tpu.memref_slice %arg5[%dma_wait3A, %dma_wait3A_132] : memref<10000x128xf32, #tpu.memory_space<hbm>> -> memref<10000x128xf32, #tpu.memory_space<hbm>>
        tpu.wait_indirect_dma semaphore(%arg19 : memref<!tpu.dma_semaphore, #tpu.memory_space<semaphore_mem>>) src(%dma_wait3A_133 : memref<10000x128xf32, #tpu.memory_space<hbm>>) dst(%arg14 : memref<80x128xf32, #tpu.memory_space<vmem>>)
        %scan3A_134 = arith.constant 0 : i32
        %scan3A_135 = arith.constant 0 : i32
        %scan3A_136 = arith.constant 80 : i32
        %scan3A_137 = arith.addi %scan3A_135, %scan3A_136 : i32
        %scan3A_138 = arith.constant 1 : i32
        scf.for %scan3A_140 = %scan3A_135 to %scan3A_137 step %scan3A_138  : i32 {
          %get3A = arith.index_cast %scan3A_140 : i32 to index
          %get3A_141 = arith.constant 0 : index
          %get3A_142 = tpu.vector_load %arg12[%get3A, %get3A_141] {strides = array<i32>} : memref<80x16xf32, #tpu.memory_space<vmem>>, vector<1x16xf32>,
          %get3A_143 = vector.shape_cast %get3A_142 : vector<1x16xf32> to vector<16xf32>
          %get3A_144 = arith.index_cast %scan3A_140 : i32 to index
          %get3A_145 = arith.constant 0 : index
          %get3A_146 = tpu.vector_load %arg14[%get3A_144, %get3A_145] {strides = array<i32>} : memref<80x128xf32, #tpu.memory_space<vmem>>, vector<1x16xf32>,
          %get3A_147 = vector.shape_cast %get3A_146 : vector<1x16xf32> to vector<16xf32>
          %mul3A_148 = arith.mulf %get3A_147, %get3A_143 : vector<16xf32>
          %swap3A = arith.index_cast %scan3A_140 : i32 to index
          %swap3A_149 = arith.constant 0 : index
          %swap3A_150 = tpu.vector_load %arg14[%swap3A, %swap3A_149] {strides = array<i32>} : memref<80x128xf32, #tpu.memory_space<vmem>>, vector<1x16xf32>,
          %swap3A_151 = vector.shape_cast %swap3A_150 : vector<1x16xf32> to vector<16xf32>
          %swap3A_152 = vector.shape_cast %mul3A_148 : vector<16xf32> to vector<1x16xf32>
          tpu.vector_store %arg14[%swap3A, %swap3A_149], %swap3A_152 {strides = array<i32>} : memref<80x128xf32, #tpu.memory_space<vmem>>, vector<1x16xf32>,
          %get3A_153 = arith.index_cast %scan3A_140 : i32 to index
          %get3A_154 = arith.constant 16 : index
          %get3A_155 = tpu.vector_load %arg14[%get3A_153, %get3A_154] {strides = array<i32>} : memref<80x128xf32, #tpu.memory_space<vmem>>, vector<1x16xf32>,
          %get3A_156 = vector.shape_cast %get3A_155 : vector<1x16xf32> to vector<16xf32>
          %mul3A_157 = arith.mulf %get3A_156, %get3A_143 : vector<16xf32>
          %swap3A_158 = arith.index_cast %scan3A_140 : i32 to index
          %swap3A_159 = arith.constant 16 : index
          %swap3A_160 = tpu.vector_load %arg14[%swap3A_158, %swap3A_159] {strides = array<i32>} : memref<80x128xf32, #tpu.memory_space<vmem>>, vector<1x16xf32>,
          %swap3A_161 = vector.shape_cast %swap3A_160 : vector<1x16xf32> to vector<16xf32>
          %swap3A_162 = vector.shape_cast %mul3A_157 : vector<16xf32> to vector<1x16xf32>
          tpu.vector_store %arg14[%swap3A_158, %swap3A_159], %swap3A_162 {strides = array<i32>} : memref<80x128xf32, #tpu.memory_space<vmem>>, vector<1x16xf32>,
          %get3A_163 = arith.index_cast %scan3A_140 : i32 to index
          %get3A_164 = arith.constant 32 : index
          %get3A_165 = tpu.vector_load %arg14[%get3A_163, %get3A_164] {strides = array<i32>} : memref<80x128xf32, #tpu.memory_space<vmem>>, vector<1x16xf32>,
          %get3A_166 = vector.shape_cast %get3A_165 : vector<1x16xf32> to vector<16xf32>
          %mul3A_167 = arith.mulf %get3A_166, %get3A_143 : vector<16xf32>
          %swap3A_168 = arith.index_cast %scan3A_140 : i32 to index
          %swap3A_169 = arith.constant 32 : index
          %swap3A_170 = tpu.vector_load %arg14[%swap3A_168, %swap3A_169] {strides = array<i32>} : memref<80x128xf32, #tpu.memory_space<vmem>>, vector<1x16xf32>,
          %swap3A_171 = vector.shape_cast %swap3A_170 : vector<1x16xf32> to vector<16xf32>
          %swap3A_172 = vector.shape_cast %mul3A_167 : vector<16xf32> to vector<1x16xf32>
          tpu.vector_store %arg14[%swap3A_168, %swap3A_169], %swap3A_172 {strides = array<i32>} : memref<80x128xf32, #tpu.memory_space<vmem>>, vector<1x16xf32>,
          %get3A_173 = arith.index_cast %scan3A_140 : i32 to index
          %get3A_174 = arith.constant 48 : index
          %get3A_175 = tpu.vector_load %arg14[%get3A_173, %get3A_174] {strides = array<i32>} : memref<80x128xf32, #tpu.memory_space<vmem>>, vector<1x16xf32>,
          %get3A_176 = vector.shape_cast %get3A_175 : vector<1x16xf32> to vector<16xf32>
          %mul3A_177 = arith.mulf %get3A_176, %get3A_143 : vector<16xf32>
          %swap3A_178 = arith.index_cast %scan3A_140 : i32 to index
          %swap3A_179 = arith.constant 48 : index
          %swap3A_180 = tpu.vector_load %arg14[%swap3A_178, %swap3A_179] {strides = array<i32>} : memref<80x128xf32, #tpu.memory_space<vmem>>, vector<1x16xf32>,
          %swap3A_181 = vector.shape_cast %swap3A_180 : vector<1x16xf32> to vector<16xf32>
          %swap3A_182 = vector.shape_cast %mul3A_177 : vector<16xf32> to vector<1x16xf32>
          tpu.vector_store %arg14[%swap3A_178, %swap3A_179], %swap3A_182 {strides = array<i32>} : memref<80x128xf32, #tpu.memory_space<vmem>>, vector<1x16xf32>,
          %get3A_183 = arith.index_cast %scan3A_140 : i32 to index
          %get3A_184 = arith.constant 64 : index
          %get3A_185 = tpu.vector_load %arg14[%get3A_183, %get3A_184] {strides = array<i32>} : memref<80x128xf32, #tpu.memory_space<vmem>>, vector<1x16xf32>,
          %get3A_186 = vector.shape_cast %get3A_185 : vector<1x16xf32> to vector<16xf32>
          %mul3A_187 = arith.mulf %get3A_186, %get3A_143 : vector<16xf32>
          %swap3A_188 = arith.index_cast %scan3A_140 : i32 to index
          %swap3A_189 = arith.constant 64 : index
          %swap3A_190 = tpu.vector_load %arg14[%swap3A_188, %swap3A_189] {strides = array<i32>} : memref<80x128xf32, #tpu.memory_space<vmem>>, vector<1x16xf32>,
          %swap3A_191 = vector.shape_cast %swap3A_190 : vector<1x16xf32> to vector<16xf32>
          %swap3A_192 = vector.shape_cast %mul3A_187 : vector<16xf32> to vector<1x16xf32>
          tpu.vector_store %arg14[%swap3A_188, %swap3A_189], %swap3A_192 {strides = array<i32>} : memref<80x128xf32, #tpu.memory_space<vmem>>, vector<1x16xf32>,
          %get3A_193 = arith.index_cast %scan3A_140 : i32 to index
          %get3A_194 = arith.constant 80 : index
          %get3A_195 = tpu.vector_load %arg14[%get3A_193, %get3A_194] {strides = array<i32>} : memref<80x128xf32, #tpu.memory_space<vmem>>, vector<1x16xf32>,
          %get3A_196 = vector.shape_cast %get3A_195 : vector<1x16xf32> to vector<16xf32>
          %mul3A_197 = arith.mulf %get3A_196, %get3A_143 : vector<16xf32>
          %swap3A_198 = arith.index_cast %scan3A_140 : i32 to index
          %swap3A_199 = arith.constant 80 : index
          %swap3A_200 = tpu.vector_load %arg14[%swap3A_198, %swap3A_199] {strides = array<i32>} : memref<80x128xf32, #tpu.memory_space<vmem>>, vector<1x16xf32>,
          %swap3A_201 = vector.shape_cast %swap3A_200 : vector<1x16xf32> to vector<16xf32>
          %swap3A_202 = vector.shape_cast %mul3A_197 : vector<16xf32> to vector<1x16xf32>
          tpu.vector_store %arg14[%swap3A_198, %swap3A_199], %swap3A_202 {strides = array<i32>} : memref<80x128xf32, #tpu.memory_space<vmem>>, vector<1x16xf32>,
          %get3A_203 = arith.index_cast %scan3A_140 : i32 to index
          %get3A_204 = arith.constant 96 : index
          %get3A_205 = tpu.vector_load %arg14[%get3A_203, %get3A_204] {strides = array<i32>} : memref<80x128xf32, #tpu.memory_space<vmem>>, vector<1x16xf32>,
          %get3A_206 = vector.shape_cast %get3A_205 : vector<1x16xf32> to vector<16xf32>
          %mul3A_207 = arith.mulf %get3A_206, %get3A_143 : vector<16xf32>
          %swap3A_208 = arith.index_cast %scan3A_140 : i32 to index
          %swap3A_209 = arith.constant 96 : index
          %swap3A_210 = tpu.vector_load %arg14[%swap3A_208, %swap3A_209] {strides = array<i32>} : memref<80x128xf32, #tpu.memory_space<vmem>>, vector<1x16xf32>,
          %swap3A_211 = vector.shape_cast %swap3A_210 : vector<1x16xf32> to vector<16xf32>
          %swap3A_212 = vector.shape_cast %mul3A_207 : vector<16xf32> to vector<1x16xf32>
          tpu.vector_store %arg14[%swap3A_208, %swap3A_209], %swap3A_212 {strides = array<i32>} : memref<80x128xf32, #tpu.memory_space<vmem>>, vector<1x16xf32>,
          %get3A_213 = arith.index_cast %scan3A_140 : i32 to index
          %get3A_214 = arith.constant 112 : index
          %get3A_215 = tpu.vector_load %arg14[%get3A_213, %get3A_214] {strides = array<i32>} : memref<80x128xf32, #tpu.memory_space<vmem>>, vector<1x16xf32>,
          %get3A_216 = vector.shape_cast %get3A_215 : vector<1x16xf32> to vector<16xf32>
          %mul3A_217 = arith.mulf %get3A_216, %get3A_143 : vector<16xf32>
          %swap3A_218 = arith.index_cast %scan3A_140 : i32 to index
          %swap3A_219 = arith.constant 112 : index
          %swap3A_220 = tpu.vector_load %arg14[%swap3A_218, %swap3A_219] {strides = array<i32>} : memref<80x128xf32, #tpu.memory_space<vmem>>, vector<1x16xf32>,
          %swap3A_221 = vector.shape_cast %swap3A_220 : vector<1x16xf32> to vector<16xf32>
          %swap3A_222 = vector.shape_cast %mul3A_217 : vector<16xf32> to vector<1x16xf32>
          tpu.vector_store %arg14[%swap3A_218, %swap3A_219], %swap3A_222 {strides = array<i32>} : memref<80x128xf32, #tpu.memory_space<vmem>>, vector<1x16xf32>,
        }
        %scan3A_139 = arith.constant 80 : i32
        "tpu.region"() ({
          %run_scoped3A = tpu.sem_alloc : memref<!tpu.dma_semaphore, #tpu.memory_space<semaphore_mem>>
          %dma_start3A_140 = arith.constant 0 : i32
          %dma_start3A_141 = arith.constant 0 : i32
          %dma_start3A_142 = tpu.memref_slice %arg15[%dma_start3A_140, %dma_start3A_141] : memref<10240x128xf32, #tpu.memory_space<vmem_shared>> -> memref<10240x128xf32, #tpu.memory_space<vmem_shared>>
          tpu.enqueue_indirect_dma source(%arg14 : memref<80x128xf32, #tpu.memory_space<vmem>>) target(%dma_start3A_142 : memref<10240x128xf32, #tpu.memory_space<vmem_shared>>) offsets(%arg10 : memref<80xi32, #tpu.memory_space<vmem>>) semaphore(%run_scoped3A : memref<!tpu.dma_semaphore, #tpu.memory_space<semaphore_mem>>) {add = true}
          %dma_wait3A_143 = arith.constant 0 : i32
          %dma_wait3A_144 = arith.constant 0 : i32
          %dma_wait3A_145 = tpu.memref_slice %arg15[%dma_wait3A_143, %dma_wait3A_144] : memref<10240x128xf32, #tpu.memory_space<vmem_shared>> -> memref<10240x128xf32, #tpu.memory_space<vmem_shared>>
          tpu.wait_indirect_dma semaphore(%run_scoped3A : memref<!tpu.dma_semaphore, #tpu.memory_space<semaphore_mem>>) src(%arg14 : memref<80x128xf32, #tpu.memory_space<vmem>>) dst(%dma_wait3A_145 : memref<10240x128xf32, #tpu.memory_space<vmem_shared>>)
          tpu.yield
        }) : () -> ()
      } else {
      }
      %add3A_101 = arith.constant 1 : i32
      %add3A_102 = arith.addi %add3A_93, %add3A_101 : i32
      %lt3A_103 = arith.constant 125 : i32
      %lt3A_104 = arith.cmpi slt, %add3A_102, %lt3A_103 : i32
      %convert_element_type3A_105 = arith.extui %lt3A_104 : i1 to i32
      %cond3A_106 = arith.constant 0 : i32
      %cond3A_107 = arith.cmpi ne, %convert_element_type3A_105, %cond3A_106 : i32
      scf.if %cond3A_107 {
        %add3A_132 = arith.constant 1 : i32
        %add3A_133 = arith.addi %add3A_93, %add3A_132 : i32
        %mul3A_134 = arith.constant 80 : i32
        %mul3A_135 = arith.muli %add3A_133, %mul3A_134 : i32
        %add3A_136 = arith.addi %add3A_40, %mul3A_135 : i32
        %dma_start3A_137 = tpu.memref_slice %arg2[%add3A_136] : memref<320000xi32, #tpu.memory_space<hbm>> -> memref<80xi32, #tpu.memory_space<hbm>>
        %dma_start3A_138 = tpu.memref_slice %arg2[%add3A_136] : memref<320000xi32, #tpu.memory_space<hbm>> -> memref<80xi32, #tpu.memory_space<hbm>>
        tpu.enqueue_dma source(%dma_start3A_138 : memref<80xi32, #tpu.memory_space<hbm>>) target(%arg8 : memref<80xi32, #tpu.memory_space<vmem>>) target_semaphore(%arg17 : memref<!tpu.dma_semaphore, #tpu.memory_space<semaphore_mem>>)
        %dma_start3A_139 = tpu.memref_slice %arg3[%add3A_136] : memref<320000xi32, #tpu.memory_space<hbm>> -> memref<80xi32, #tpu.memory_space<hbm>>
        %dma_start3A_140 = tpu.memref_slice %arg3[%add3A_136] : memref<320000xi32, #tpu.memory_space<hbm>> -> memref<80xi32, #tpu.memory_space<hbm>>
        tpu.enqueue_dma source(%dma_start3A_140 : memref<80xi32, #tpu.memory_space<hbm>>) target(%arg10 : memref<80xi32, #tpu.memory_space<vmem>>) target_semaphore(%arg17 : memref<!tpu.dma_semaphore, #tpu.memory_space<semaphore_mem>>)
        %dma_start3A_141 = arith.constant 0 : i32
        %dma_start3A_142 = tpu.memref_slice %arg4[%add3A_136, %dma_start3A_141] : memref<320000x16xf32, #tpu.memory_space<hbm>> -> memref<80x16xf32, #tpu.memory_space<hbm>>
        %dma_start3A_143 = arith.constant 0 : i32
        %dma_start3A_144 = tpu.memref_slice %arg4[%add3A_136, %dma_start3A_143] : memref<320000x16xf32, #tpu.memory_space<hbm>> -> memref<80x16xf32, #tpu.memory_space<hbm>>
        tpu.enqueue_dma source(%dma_start3A_144 : memref<80x16xf32, #tpu.memory_space<hbm>>) target(%arg12 : memref<80x16xf32, #tpu.memory_space<vmem>>) target_semaphore(%arg17 : memref<!tpu.dma_semaphore, #tpu.memory_space<semaphore_mem>>)
      } else {
      }
      %mul3A_108 = arith.constant 2 : i32
      %mul3A_109 = arith.muli %mul3A_108, %scan3A_89 : i32
      %add3A_110 = arith.constant 1 : i32
      %add3A_111 = arith.addi %mul3A_109, %add3A_110 : i32
      %lt3A_112 = arith.constant 125 : i32
      %lt3A_113 = arith.cmpi slt, %add3A_111, %lt3A_112 : i32
      %convert_element_type3A_114 = arith.extui %lt3A_113 : i1 to i32
      %cond3A_115 = arith.constant 0 : i32
      %cond3A_116 = arith.cmpi ne, %convert_element_type3A_114, %cond3A_115 : i32
      scf.if %cond3A_116 {
        %dma_wait3A = arith.constant 0 : i32
        %dma_wait3A_132 = tpu.memref_slice %arg2[%dma_wait3A] : memref<320000xi32, #tpu.memory_space<hbm>> -> memref<80xi32, #tpu.memory_space<hbm>>
        %dma_wait3A_133 = arith.constant 0 : i32
        %dma_wait3A_134 = tpu.memref_slice %arg2[%dma_wait3A_133] : memref<320000xi32, #tpu.memory_space<hbm>> -> memref<80xi32, #tpu.memory_space<hbm>>
        tpu.wait_dma2 semaphore(%arg17 : memref<!tpu.dma_semaphore, #tpu.memory_space<semaphore_mem>>) src(%dma_wait3A_134 : memref<80xi32, #tpu.memory_space<hbm>>) dst(%arg8 : memref<80xi32, #tpu.memory_space<vmem>>)
        %dma_wait3A_135 = arith.constant 0 : i32
        %dma_wait3A_136 = tpu.memref_slice %arg3[%dma_wait3A_135] : memref<320000xi32, #tpu.memory_space<hbm>> -> memref<80xi32, #tpu.memory_space<hbm>>
        %dma_wait3A_137 = arith.constant 0 : i32
        %dma_wait3A_138 = tpu.memref_slice %arg3[%dma_wait3A_137] : memref<320000xi32, #tpu.memory_space<hbm>> -> memref<80xi32, #tpu.memory_space<hbm>>
        tpu.wait_dma2 semaphore(%arg17 : memref<!tpu.dma_semaphore, #tpu.memory_space<semaphore_mem>>) src(%dma_wait3A_138 : memref<80xi32, #tpu.memory_space<hbm>>) dst(%arg10 : memref<80xi32, #tpu.memory_space<vmem>>)
        %dma_wait3A_139 = arith.constant 0 : i32
        %dma_wait3A_140 = arith.constant 0 : i32
        %dma_wait3A_141 = tpu.memref_slice %arg4[%dma_wait3A_139, %dma_wait3A_140] : memref<320000x16xf32, #tpu.memory_space<hbm>> -> memref<80x16xf32, #tpu.memory_space<hbm>>
        %dma_wait3A_142 = arith.constant 0 : i32
        %dma_wait3A_143 = arith.constant 0 : i32
        %dma_wait3A_144 = tpu.memref_slice %arg4[%dma_wait3A_142, %dma_wait3A_143] : memref<320000x16xf32, #tpu.memory_space<hbm>> -> memref<80x16xf32, #tpu.memory_space<hbm>>
        tpu.wait_dma2 semaphore(%arg17 : memref<!tpu.dma_semaphore, #tpu.memory_space<semaphore_mem>>) src(%dma_wait3A_144 : memref<80x16xf32, #tpu.memory_space<hbm>>) dst(%arg12 : memref<80x16xf32, #tpu.memory_space<vmem>>)
        %dma_start3A_145 = arith.constant 0 : i32
        %dma_start3A_146 = arith.constant 0 : i32
        %dma_start3A_147 = tpu.memref_slice %arg5[%dma_start3A_145, %dma_start3A_146] : memref<10000x128xf32, #tpu.memory_space<hbm>> -> memref<10000x128xf32, #tpu.memory_space<hbm>>
        tpu.enqueue_indirect_dma source(%dma_start3A_147 : memref<10000x128xf32, #tpu.memory_space<hbm>>) target(%arg14 : memref<80x128xf32, #tpu.memory_space<vmem>>) offsets(%arg8 : memref<80xi32, #tpu.memory_space<vmem>>) semaphore(%arg19 : memref<!tpu.dma_semaphore, #tpu.memory_space<semaphore_mem>>)
      } else {
      }
      %gt3A_117 = arith.constant 0 : i32
      %gt3A_118 = arith.cmpi sgt, %add3A_111, %gt3A_117 : i32
      %le3A_119 = arith.constant 125 : i32
      %le3A_120 = arith.cmpi sle, %add3A_111, %le3A_119 : i32
      %and3A_121 = arith.andi %gt3A_118, %le3A_120 : i1
      %convert_element_type3A_122 = arith.extui %and3A_121 : i1 to i32
      %cond3A_123 = arith.constant 0 : i32
      %cond3A_124 = arith.cmpi ne, %convert_element_type3A_122, %cond3A_123 : i32
      scf.if %cond3A_124 {
        %dma_wait3A = arith.constant 0 : i32
        %dma_wait3A_132 = arith.constant 0 : i32
        %dma_wait3A_133 = tpu.memref_slice %arg5[%dma_wait3A, %dma_wait3A_132] : memref<10000x128xf32, #tpu.memory_space<hbm>> -> memref<10000x128xf32, #tpu.memory_space<hbm>>
        tpu.wait_indirect_dma semaphore(%arg18 : memref<!tpu.dma_semaphore, #tpu.memory_space<semaphore_mem>>) src(%dma_wait3A_133 : memref<10000x128xf32, #tpu.memory_space<hbm>>) dst(%arg13 : memref<80x128xf32, #tpu.memory_space<vmem>>)
        %scan3A_134 = arith.constant 0 : i32
        %scan3A_135 = arith.constant 0 : i32
        %scan3A_136 = arith.constant 80 : i32
        %scan3A_137 = arith.addi %scan3A_135, %scan3A_136 : i32
        %scan3A_138 = arith.constant 1 : i32
        scf.for %scan3A_140 = %scan3A_135 to %scan3A_137 step %scan3A_138  : i32 {
          %get3A = arith.index_cast %scan3A_140 : i32 to index
          %get3A_141 = arith.constant 0 : index
          %get3A_142 = tpu.vector_load %arg11[%get3A, %get3A_141] {strides = array<i32>} : memref<80x16xf32, #tpu.memory_space<vmem>>, vector<1x16xf32>,
          %get3A_143 = vector.shape_cast %get3A_142 : vector<1x16xf32> to vector<16xf32>
          %get3A_144 = arith.index_cast %scan3A_140 : i32 to index
          %get3A_145 = arith.constant 0 : index
          %get3A_146 = tpu.vector_load %arg13[%get3A_144, %get3A_145] {strides = array<i32>} : memref<80x128xf32, #tpu.memory_space<vmem>>, vector<1x16xf32>,
          %get3A_147 = vector.shape_cast %get3A_146 : vector<1x16xf32> to vector<16xf32>
          %mul3A_148 = arith.mulf %get3A_147, %get3A_143 : vector<16xf32>
          %swap3A = arith.index_cast %scan3A_140 : i32 to index
          %swap3A_149 = arith.constant 0 : index
          %swap3A_150 = tpu.vector_load %arg13[%swap3A, %swap3A_149] {strides = array<i32>} : memref<80x128xf32, #tpu.memory_space<vmem>>, vector<1x16xf32>,
          %swap3A_151 = vector.shape_cast %swap3A_150 : vector<1x16xf32> to vector<16xf32>
          %swap3A_152 = vector.shape_cast %mul3A_148 : vector<16xf32> to vector<1x16xf32>
          tpu.vector_store %arg13[%swap3A, %swap3A_149], %swap3A_152 {strides = array<i32>} : memref<80x128xf32, #tpu.memory_space<vmem>>, vector<1x16xf32>,
          %get3A_153 = arith.index_cast %scan3A_140 : i32 to index
          %get3A_154 = arith.constant 16 : index
          %get3A_155 = tpu.vector_load %arg13[%get3A_153, %get3A_154] {strides = array<i32>} : memref<80x128xf32, #tpu.memory_space<vmem>>, vector<1x16xf32>,
          %get3A_156 = vector.shape_cast %get3A_155 : vector<1x16xf32> to vector<16xf32>
          %mul3A_157 = arith.mulf %get3A_156, %get3A_143 : vector<16xf32>
          %swap3A_158 = arith.index_cast %scan3A_140 : i32 to index
          %swap3A_159 = arith.constant 16 : index
          %swap3A_160 = tpu.vector_load %arg13[%swap3A_158, %swap3A_159] {strides = array<i32>} : memref<80x128xf32, #tpu.memory_space<vmem>>, vector<1x16xf32>,
          %swap3A_161 = vector.shape_cast %swap3A_160 : vector<1x16xf32> to vector<16xf32>
          %swap3A_162 = vector.shape_cast %mul3A_157 : vector<16xf32> to vector<1x16xf32>
          tpu.vector_store %arg13[%swap3A_158, %swap3A_159], %swap3A_162 {strides = array<i32>} : memref<80x128xf32, #tpu.memory_space<vmem>>, vector<1x16xf32>,
          %get3A_163 = arith.index_cast %scan3A_140 : i32 to index
          %get3A_164 = arith.constant 32 : index
          %get3A_165 = tpu.vector_load %arg13[%get3A_163, %get3A_164] {strides = array<i32>} : memref<80x128xf32, #tpu.memory_space<vmem>>, vector<1x16xf32>,
          %get3A_166 = vector.shape_cast %get3A_165 : vector<1x16xf32> to vector<16xf32>
          %mul3A_167 = arith.mulf %get3A_166, %get3A_143 : vector<16xf32>
          %swap3A_168 = arith.index_cast %scan3A_140 : i32 to index
          %swap3A_169 = arith.constant 32 : index
          %swap3A_170 = tpu.vector_load %arg13[%swap3A_168, %swap3A_169] {strides = array<i32>} : memref<80x128xf32, #tpu.memory_space<vmem>>, vector<1x16xf32>,
          %swap3A_171 = vector.shape_cast %swap3A_170 : vector<1x16xf32> to vector<16xf32>
          %swap3A_172 = vector.shape_cast %mul3A_167 : vector<16xf32> to vector<1x16xf32>
          tpu.vector_store %arg13[%swap3A_168, %swap3A_169], %swap3A_172 {strides = array<i32>} : memref<80x128xf32, #tpu.memory_space<vmem>>, vector<1x16xf32>,
          %get3A_173 = arith.index_cast %scan3A_140 : i32 to index
          %get3A_174 = arith.constant 48 : index
          %get3A_175 = tpu.vector_load %arg13[%get3A_173, %get3A_174] {strides = array<i32>} : memref<80x128xf32, #tpu.memory_space<vmem>>, vector<1x16xf32>,
          %get3A_176 = vector.shape_cast %get3A_175 : vector<1x16xf32> to vector<16xf32>
          %mul3A_177 = arith.mulf %get3A_176, %get3A_143 : vector<16xf32>
          %swap3A_178 = arith.index_cast %scan3A_140 : i32 to index
          %swap3A_179 = arith.constant 48 : index
          %swap3A_180 = tpu.vector_load %arg13[%swap3A_178, %swap3A_179] {strides = array<i32>} : memref<80x128xf32, #tpu.memory_space<vmem>>, vector<1x16xf32>,
          %swap3A_181 = vector.shape_cast %swap3A_180 : vector<1x16xf32> to vector<16xf32>
          %swap3A_182 = vector.shape_cast %mul3A_177 : vector<16xf32> to vector<1x16xf32>
          tpu.vector_store %arg13[%swap3A_178, %swap3A_179], %swap3A_182 {strides = array<i32>} : memref<80x128xf32, #tpu.memory_space<vmem>>, vector<1x16xf32>,
          %get3A_183 = arith.index_cast %scan3A_140 : i32 to index
          %get3A_184 = arith.constant 64 : index
          %get3A_185 = tpu.vector_load %arg13[%get3A_183, %get3A_184] {strides = array<i32>} : memref<80x128xf32, #tpu.memory_space<vmem>>, vector<1x16xf32>,
          %get3A_186 = vector.shape_cast %get3A_185 : vector<1x16xf32> to vector<16xf32>
          %mul3A_187 = arith.mulf %get3A_186, %get3A_143 : vector<16xf32>
          %swap3A_188 = arith.index_cast %scan3A_140 : i32 to index
          %swap3A_189 = arith.constant 64 : index
          %swap3A_190 = tpu.vector_load %arg13[%swap3A_188, %swap3A_189] {strides = array<i32>} : memref<80x128xf32, #tpu.memory_space<vmem>>, vector<1x16xf32>,
          %swap3A_191 = vector.shape_cast %swap3A_190 : vector<1x16xf32> to vector<16xf32>
          %swap3A_192 = vector.shape_cast %mul3A_187 : vector<16xf32> to vector<1x16xf32>
          tpu.vector_store %arg13[%swap3A_188, %swap3A_189], %swap3A_192 {strides = array<i32>} : memref<80x128xf32, #tpu.memory_space<vmem>>, vector<1x16xf32>,
          %get3A_193 = arith.index_cast %scan3A_140 : i32 to index
          %get3A_194 = arith.constant 80 : index
          %get3A_195 = tpu.vector_load %arg13[%get3A_193, %get3A_194] {strides = array<i32>} : memref<80x128xf32, #tpu.memory_space<vmem>>, vector<1x16xf32>,
          %get3A_196 = vector.shape_cast %get3A_195 : vector<1x16xf32> to vector<16xf32>
          %mul3A_197 = arith.mulf %get3A_196, %get3A_143 : vector<16xf32>
          %swap3A_198 = arith.index_cast %scan3A_140 : i32 to index
          %swap3A_199 = arith.constant 80 : index
          %swap3A_200 = tpu.vector_load %arg13[%swap3A_198, %swap3A_199] {strides = array<i32>} : memref<80x128xf32, #tpu.memory_space<vmem>>, vector<1x16xf32>,
          %swap3A_201 = vector.shape_cast %swap3A_200 : vector<1x16xf32> to vector<16xf32>
          %swap3A_202 = vector.shape_cast %mul3A_197 : vector<16xf32> to vector<1x16xf32>
          tpu.vector_store %arg13[%swap3A_198, %swap3A_199], %swap3A_202 {strides = array<i32>} : memref<80x128xf32, #tpu.memory_space<vmem>>, vector<1x16xf32>,
          %get3A_203 = arith.index_cast %scan3A_140 : i32 to index
          %get3A_204 = arith.constant 96 : index
          %get3A_205 = tpu.vector_load %arg13[%get3A_203, %get3A_204] {strides = array<i32>} : memref<80x128xf32, #tpu.memory_space<vmem>>, vector<1x16xf32>,
          %get3A_206 = vector.shape_cast %get3A_205 : vector<1x16xf32> to vector<16xf32>
          %mul3A_207 = arith.mulf %get3A_206, %get3A_143 : vector<16xf32>
          %swap3A_208 = arith.index_cast %scan3A_140 : i32 to index
          %swap3A_209 = arith.constant 96 : index
          %swap3A_210 = tpu.vector_load %arg13[%swap3A_208, %swap3A_209] {strides = array<i32>} : memref<80x128xf32, #tpu.memory_space<vmem>>, vector<1x16xf32>,
          %swap3A_211 = vector.shape_cast %swap3A_210 : vector<1x16xf32> to vector<16xf32>
          %swap3A_212 = vector.shape_cast %mul3A_207 : vector<16xf32> to vector<1x16xf32>
          tpu.vector_store %arg13[%swap3A_208, %swap3A_209], %swap3A_212 {strides = array<i32>} : memref<80x128xf32, #tpu.memory_space<vmem>>, vector<1x16xf32>,
          %get3A_213 = arith.index_cast %scan3A_140 : i32 to index
          %get3A_214 = arith.constant 112 : index
          %get3A_215 = tpu.vector_load %arg13[%get3A_213, %get3A_214] {strides = array<i32>} : memref<80x128xf32, #tpu.memory_space<vmem>>, vector<1x16xf32>,
          %get3A_216 = vector.shape_cast %get3A_215 : vector<1x16xf32> to vector<16xf32>
          %mul3A_217 = arith.mulf %get3A_216, %get3A_143 : vector<16xf32>
          %swap3A_218 = arith.index_cast %scan3A_140 : i32 to index
          %swap3A_219 = arith.constant 112 : index
          %swap3A_220 = tpu.vector_load %arg13[%swap3A_218, %swap3A_219] {strides = array<i32>} : memref<80x128xf32, #tpu.memory_space<vmem>>, vector<1x16xf32>,
          %swap3A_221 = vector.shape_cast %swap3A_220 : vector<1x16xf32> to vector<16xf32>
          %swap3A_222 = vector.shape_cast %mul3A_217 : vector<16xf32> to vector<1x16xf32>
          tpu.vector_store %arg13[%swap3A_218, %swap3A_219], %swap3A_222 {strides = array<i32>} : memref<80x128xf32, #tpu.memory_space<vmem>>, vector<1x16xf32>,
        }
        %scan3A_139 = arith.constant 80 : i32
        "tpu.region"() ({
          %run_scoped3A = tpu.sem_alloc : memref<!tpu.dma_semaphore, #tpu.memory_space<semaphore_mem>>
          %dma_start3A_140 = arith.constant 0 : i32
          %dma_start3A_141 = arith.constant 0 : i32
          %dma_start3A_142 = tpu.memref_slice %arg15[%dma_start3A_140, %dma_start3A_141] : memref<10240x128xf32, #tpu.memory_space<vmem_shared>> -> memref<10240x128xf32, #tpu.memory_space<vmem_shared>>
          tpu.enqueue_indirect_dma source(%arg13 : memref<80x128xf32, #tpu.memory_space<vmem>>) target(%dma_start3A_142 : memref<10240x128xf32, #tpu.memory_space<vmem_shared>>) offsets(%arg9 : memref<80xi32, #tpu.memory_space<vmem>>) semaphore(%run_scoped3A : memref<!tpu.dma_semaphore, #tpu.memory_space<semaphore_mem>>) {add = true}
          %dma_wait3A_143 = arith.constant 0 : i32
          %dma_wait3A_144 = arith.constant 0 : i32
          %dma_wait3A_145 = tpu.memref_slice %arg15[%dma_wait3A_143, %dma_wait3A_144] : memref<10240x128xf32, #tpu.memory_space<vmem_shared>> -> memref<10240x128xf32, #tpu.memory_space<vmem_shared>>
          tpu.wait_indirect_dma semaphore(%run_scoped3A : memref<!tpu.dma_semaphore, #tpu.memory_space<semaphore_mem>>) src(%arg13 : memref<80x128xf32, #tpu.memory_space<vmem>>) dst(%dma_wait3A_145 : memref<10240x128xf32, #tpu.memory_space<vmem_shared>>)
          tpu.yield
        }) : () -> ()
      } else {
      }
      %add3A_125 = arith.constant 1 : i32
      %add3A_126 = arith.addi %add3A_111, %add3A_125 : i32
      %lt3A_127 = arith.constant 125 : i32
      %lt3A_128 = arith.cmpi slt, %add3A_126, %lt3A_127 : i32
      %convert_element_type3A_129 = arith.extui %lt3A_128 : i1 to i32
      %cond3A_130 = arith.constant 0 : i32
      %cond3A_131 = arith.cmpi ne, %convert_element_type3A_129, %cond3A_130 : i32
      scf.if %cond3A_131 {
        %add3A_132 = arith.constant 1 : i32
        %add3A_133 = arith.addi %add3A_111, %add3A_132 : i32
        %mul3A_134 = arith.constant 80 : i32
        %mul3A_135 = arith.muli %add3A_133, %mul3A_134 : i32
        %add3A_136 = arith.addi %add3A_40, %mul3A_135 : i32
        %dma_start3A_137 = tpu.memref_slice %arg2[%add3A_136] : memref<320000xi32, #tpu.memory_space<hbm>> -> memref<80xi32, #tpu.memory_space<hbm>>
        %dma_start3A_138 = tpu.memref_slice %arg2[%add3A_136] : memref<320000xi32, #tpu.memory_space<hbm>> -> memref<80xi32, #tpu.memory_space<hbm>>
        tpu.enqueue_dma source(%dma_start3A_138 : memref<80xi32, #tpu.memory_space<hbm>>) target(%arg7 : memref<80xi32, #tpu.memory_space<vmem>>) target_semaphore(%arg16 : memref<!tpu.dma_semaphore, #tpu.memory_space<semaphore_mem>>)
        %dma_start3A_139 = tpu.memref_slice %arg3[%add3A_136] : memref<320000xi32, #tpu.memory_space<hbm>> -> memref<80xi32, #tpu.memory_space<hbm>>
        %dma_start3A_140 = tpu.memref_slice %arg3[%add3A_136] : memref<320000xi32, #tpu.memory_space<hbm>> -> memref<80xi32, #tpu.memory_space<hbm>>
        tpu.enqueue_dma source(%dma_start3A_140 : memref<80xi32, #tpu.memory_space<hbm>>) target(%arg9 : memref<80xi32, #tpu.memory_space<vmem>>) target_semaphore(%arg16 : memref<!tpu.dma_semaphore, #tpu.memory_space<semaphore_mem>>)
        %dma_start3A_141 = arith.constant 0 : i32
        %dma_start3A_142 = tpu.memref_slice %arg4[%add3A_136, %dma_start3A_141] : memref<320000x16xf32, #tpu.memory_space<hbm>> -> memref<80x16xf32, #tpu.memory_space<hbm>>
        %dma_start3A_143 = arith.constant 0 : i32
        %dma_start3A_144 = tpu.memref_slice %arg4[%add3A_136, %dma_start3A_143] : memref<320000x16xf32, #tpu.memory_space<hbm>> -> memref<80x16xf32, #tpu.memory_space<hbm>>
        tpu.enqueue_dma source(%dma_start3A_144 : memref<80x16xf32, #tpu.memory_space<hbm>>) target(%arg11 : memref<80x16xf32, #tpu.memory_space<vmem>>) target_semaphore(%arg16 : memref<!tpu.dma_semaphore, #tpu.memory_space<semaphore_mem>>)
      } else {
      }
    }
    %scan3A_55 = arith.constant 63 : i32
    %barrier3A_56 = arith.constant 0 : index
    tpu.barrier barrier_id(%barrier3A_56)
    %mul3A_57 = arith.constant 640 : i32
    %mul3A_58 = arith.muli %arg1, %mul3A_57 : i32
    %add3A_59 = arith.constant 0 : i32
    %add3A_60 = arith.addi %mul3A_58, %add3A_59 : i32
    "tpu.region"() ({
      %run_scoped3A = tpu.sem_alloc : memref<!tpu.dma_semaphore, #tpu.memory_space<semaphore_mem>>
      %dma_start3A_89 = arith.constant 0 : i32
      %dma_start3A_90 = tpu.memref_slice %arg15[%add3A_60, %dma_start3A_89] : memref<10240x128xf32, #tpu.memory_space<vmem_shared>> -> memref<80x128xf32, #tpu.memory_space<vmem_shared>>
      %dma_start3A_91 = arith.constant 0 : i32
      %dma_start3A_92 = tpu.memref_slice %arg15[%add3A_60, %dma_start3A_91] : memref<10240x128xf32, #tpu.memory_space<vmem_shared>> -> memref<80x128xf32, #tpu.memory_space<vmem_shared>>
      tpu.enqueue_dma source(%dma_start3A_92 : memref<80x128xf32, #tpu.memory_space<vmem_shared>>) target(%arg13 : memref<80x128xf32, #tpu.memory_space<vmem>>) target_semaphore(%run_scoped3A : memref<!tpu.dma_semaphore, #tpu.memory_space<semaphore_mem>>)
      %dma_wait3A = arith.constant 0 : i32
      %dma_wait3A_93 = tpu.memref_slice %arg15[%add3A_60, %dma_wait3A] : memref<10240x128xf32, #tpu.memory_space<vmem_shared>> -> memref<80x128xf32, #tpu.memory_space<vmem_shared>>
      %dma_wait3A_94 = arith.constant 0 : i32
      %dma_wait3A_95 = tpu.memref_slice %arg15[%add3A_60, %dma_wait3A_94] : memref<10240x128xf32, #tpu.memory_space<vmem_shared>> -> memref<80x128xf32, #tpu.memory_space<vmem_shared>>
      tpu.wait_dma2 semaphore(%run_scoped3A : memref<!tpu.dma_semaphore, #tpu.memory_space<semaphore_mem>>) src(%dma_wait3A_95 : memref<80x128xf32, #tpu.memory_space<vmem_shared>>) dst(%arg13 : memref<80x128xf32, #tpu.memory_space<vmem>>)
      tpu.yield
    }) : () -> ()
    "tpu.region"() ({
      %run_scoped3A = tpu.sem_alloc : memref<!tpu.dma_semaphore, #tpu.memory_space<semaphore_mem>>
      %dma_start3A_89 = arith.constant 0 : i32
      %dma_start3A_90 = tpu.memref_slice %arg6[%arg0, %add3A_60, %dma_start3A_89] : memref<2x10240x128xf32, #tpu.memory_space<hbm>> -> memref<1x80x128xf32, #tpu.memory_space<hbm>>
      %dma_start3A_91 = tpu.memref_squeeze %dma_start3A_90 : memref<1x80x128xf32, #tpu.memory_space<hbm>> -> memref<80x128xf32, #tpu.memory_space<hbm>>
      %dma_start3A_92 = arith.constant 0 : i32
      %dma_start3A_93 = tpu.memref_slice %arg6[%arg0, %add3A_60, %dma_start3A_92] : memref<2x10240x128xf32, #tpu.memory_space<hbm>> -> memref<1x80x128xf32, #tpu.memory_space<hbm>>
      %dma_start3A_94 = tpu.memref_squeeze %dma_start3A_93 : memref<1x80x128xf32, #tpu.memory_space<hbm>> -> memref<80x128xf32, #tpu.memory_space<hbm>>
      tpu.enqueue_dma source(%arg13 : memref<80x128xf32, #tpu.memory_space<vmem>>) target(%dma_start3A_94 : memref<80x128xf32, #tpu.memory_space<hbm>>) target_semaphore(%run_scoped3A : memref<!tpu.dma_semaphore, #tpu.memory_space<semaphore_mem>>)
      %dma_wait3A = arith.constant 0 : i32
      %dma_wait3A_95 = tpu.memref_slice %arg6[%arg0, %add3A_60, %dma_wait3A] : memref<2x10240x128xf32, #tpu.memory_space<hbm>> -> memref<1x80x128xf32, #tpu.memory_space<hbm>>
      %dma_wait3A_96 = tpu.memref_squeeze %dma_wait3A_95 : memref<1x80x128xf32, #tpu.memory_space<hbm>> -> memref<80x128xf32, #tpu.memory_space<hbm>>
      %dma_wait3A_97 = arith.constant 0 : i32
      %dma_wait3A_98 = tpu.memref_slice %arg6[%arg0, %add3A_60, %dma_wait3A_97] : memref<2x10240x128xf32, #tpu.memory_space<hbm>> -> memref<1x80x128xf32, #tpu.memory_space<hbm>>
      %dma_wait3A_99 = tpu.memref_squeeze %dma_wait3A_98 : memref<1x80x128xf32, #tpu.memory_space<hbm>> -> memref<80x128xf32, #tpu.memory_space<hbm>>
      tpu.wait_dma2 semaphore(%run_scoped3A : memref<!tpu.dma_semaphore, #tpu.memory_space<semaphore_mem>>) src(%arg13 : memref<80x128xf32, #tpu.memory_space<vmem>>) dst(%dma_wait3A_99 : memref<80x128xf32, #tpu.memory_space<hbm>>)
      tpu.yield
    }) : () -> ()
    %mul3A_61 = arith.constant 640 : i32
    %mul3A_62 = arith.muli %arg1, %mul3A_61 : i32
    %add3A_63 = arith.constant 80 : i32
    %add3A_64 = arith.addi %mul3A_62, %add3A_63 : i32
    "tpu.region"() ({
      %run_scoped3A = tpu.sem_alloc : memref<!tpu.dma_semaphore, #tpu.memory_space<semaphore_mem>>
      %dma_start3A_89 = arith.constant 0 : i32
      %dma_start3A_90 = tpu.memref_slice %arg15[%add3A_64, %dma_start3A_89] : memref<10240x128xf32, #tpu.memory_space<vmem_shared>> -> memref<80x128xf32, #tpu.memory_space<vmem_shared>>
      %dma_start3A_91 = arith.constant 0 : i32
      %dma_start3A_92 = tpu.memref_slice %arg15[%add3A_64, %dma_start3A_91] : memref<10240x128xf32, #tpu.memory_space<vmem_shared>> -> memref<80x128xf32, #tpu.memory_space<vmem_shared>>
      tpu.enqueue_dma source(%dma_start3A_92 : memref<80x128xf32, #tpu.memory_space<vmem_shared>>) target(%arg13 : memref<80x128xf32, #tpu.memory_space<vmem>>) target_semaphore(%run_scoped3A : memref<!tpu.dma_semaphore, #tpu.memory_space<semaphore_mem>>)
      %dma_wait3A = arith.constant 0 : i32
      %dma_wait3A_93 = tpu.memref_slice %arg15[%add3A_64, %dma_wait3A] : memref<10240x128xf32, #tpu.memory_space<vmem_shared>> -> memref<80x128xf32, #tpu.memory_space<vmem_shared>>
      %dma_wait3A_94 = arith.constant 0 : i32
      %dma_wait3A_95 = tpu.memref_slice %arg15[%add3A_64, %dma_wait3A_94] : memref<10240x128xf32, #tpu.memory_space<vmem_shared>> -> memref<80x128xf32, #tpu.memory_space<vmem_shared>>
      tpu.wait_dma2 semaphore(%run_scoped3A : memref<!tpu.dma_semaphore, #tpu.memory_space<semaphore_mem>>) src(%dma_wait3A_95 : memref<80x128xf32, #tpu.memory_space<vmem_shared>>) dst(%arg13 : memref<80x128xf32, #tpu.memory_space<vmem>>)
      tpu.yield
    }) : () -> ()
    "tpu.region"() ({
      %run_scoped3A = tpu.sem_alloc : memref<!tpu.dma_semaphore, #tpu.memory_space<semaphore_mem>>
      %dma_start3A_89 = arith.constant 0 : i32
      %dma_start3A_90 = tpu.memref_slice %arg6[%arg0, %add3A_64, %dma_start3A_89] : memref<2x10240x128xf32, #tpu.memory_space<hbm>> -> memref<1x80x128xf32, #tpu.memory_space<hbm>>
      %dma_start3A_91 = tpu.memref_squeeze %dma_start3A_90 : memref<1x80x128xf32, #tpu.memory_space<hbm>> -> memref<80x128xf32, #tpu.memory_space<hbm>>
      %dma_start3A_92 = arith.constant 0 : i32
      %dma_start3A_93 = tpu.memref_slice %arg6[%arg0, %add3A_64, %dma_start3A_92] : memref<2x10240x128xf32, #tpu.memory_space<hbm>> -> memref<1x80x128xf32, #tpu.memory_space<hbm>>
      %dma_start3A_94 = tpu.memref_squeeze %dma_start3A_93 : memref<1x80x128xf32, #tpu.memory_space<hbm>> -> memref<80x128xf32, #tpu.memory_space<hbm>>
      tpu.enqueue_dma source(%arg13 : memref<80x128xf32, #tpu.memory_space<vmem>>) target(%dma_start3A_94 : memref<80x128xf32, #tpu.memory_space<hbm>>) target_semaphore(%run_scoped3A : memref<!tpu.dma_semaphore, #tpu.memory_space<semaphore_mem>>)
      %dma_wait3A = arith.constant 0 : i32
      %dma_wait3A_95 = tpu.memref_slice %arg6[%arg0, %add3A_64, %dma_wait3A] : memref<2x10240x128xf32, #tpu.memory_space<hbm>> -> memref<1x80x128xf32, #tpu.memory_space<hbm>>
      %dma_wait3A_96 = tpu.memref_squeeze %dma_wait3A_95 : memref<1x80x128xf32, #tpu.memory_space<hbm>> -> memref<80x128xf32, #tpu.memory_space<hbm>>
      %dma_wait3A_97 = arith.constant 0 : i32
      %dma_wait3A_98 = tpu.memref_slice %arg6[%arg0, %add3A_64, %dma_wait3A_97] : memref<2x10240x128xf32, #tpu.memory_space<hbm>> -> memref<1x80x128xf32, #tpu.memory_space<hbm>>
      %dma_wait3A_99 = tpu.memref_squeeze %dma_wait3A_98 : memref<1x80x128xf32, #tpu.memory_space<hbm>> -> memref<80x128xf32, #tpu.memory_space<hbm>>
      tpu.wait_dma2 semaphore(%run_scoped3A : memref<!tpu.dma_semaphore, #tpu.memory_space<semaphore_mem>>) src(%arg13 : memref<80x128xf32, #tpu.memory_space<vmem>>) dst(%dma_wait3A_99 : memref<80x128xf32, #tpu.memory_space<hbm>>)
      tpu.yield
    }) : () -> ()
    %mul3A_65 = arith.constant 640 : i32
    %mul3A_66 = arith.muli %arg1, %mul3A_65 : i32
    %add3A_67 = arith.constant 160 : i32
    %add3A_68 = arith.addi %mul3A_66, %add3A_67 : i32
    "tpu.region"() ({
      %run_scoped3A = tpu.sem_alloc : memref<!tpu.dma_semaphore, #tpu.memory_space<semaphore_mem>>
      %dma_start3A_89 = arith.constant 0 : i32
      %dma_start3A_90 = tpu.memref_slice %arg15[%add3A_68, %dma_start3A_89] : memref<10240x128xf32, #tpu.memory_space<vmem_shared>> -> memref<80x128xf32, #tpu.memory_space<vmem_shared>>
      %dma_start3A_91 = arith.constant 0 : i32
      %dma_start3A_92 = tpu.memref_slice %arg15[%add3A_68, %dma_start3A_91] : memref<10240x128xf32, #tpu.memory_space<vmem_shared>> -> memref<80x128xf32, #tpu.memory_space<vmem_shared>>
      tpu.enqueue_dma source(%dma_start3A_92 : memref<80x128xf32, #tpu.memory_space<vmem_shared>>) target(%arg13 : memref<80x128xf32, #tpu.memory_space<vmem>>) target_semaphore(%run_scoped3A : memref<!tpu.dma_semaphore, #tpu.memory_space<semaphore_mem>>)
      %dma_wait3A = arith.constant 0 : i32
      %dma_wait3A_93 = tpu.memref_slice %arg15[%add3A_68, %dma_wait3A] : memref<10240x128xf32, #tpu.memory_space<vmem_shared>> -> memref<80x128xf32, #tpu.memory_space<vmem_shared>>
      %dma_wait3A_94 = arith.constant 0 : i32
      %dma_wait3A_95 = tpu.memref_slice %arg15[%add3A_68, %dma_wait3A_94] : memref<10240x128xf32, #tpu.memory_space<vmem_shared>> -> memref<80x128xf32, #tpu.memory_space<vmem_shared>>
      tpu.wait_dma2 semaphore(%run_scoped3A : memref<!tpu.dma_semaphore, #tpu.memory_space<semaphore_mem>>) src(%dma_wait3A_95 : memref<80x128xf32, #tpu.memory_space<vmem_shared>>) dst(%arg13 : memref<80x128xf32, #tpu.memory_space<vmem>>)
      tpu.yield
    }) : () -> ()
    "tpu.region"() ({
      %run_scoped3A = tpu.sem_alloc : memref<!tpu.dma_semaphore, #tpu.memory_space<semaphore_mem>>
      %dma_start3A_89 = arith.constant 0 : i32
      %dma_start3A_90 = tpu.memref_slice %arg6[%arg0, %add3A_68, %dma_start3A_89] : memref<2x10240x128xf32, #tpu.memory_space<hbm>> -> memref<1x80x128xf32, #tpu.memory_space<hbm>>
      %dma_start3A_91 = tpu.memref_squeeze %dma_start3A_90 : memref<1x80x128xf32, #tpu.memory_space<hbm>> -> memref<80x128xf32, #tpu.memory_space<hbm>>
      %dma_start3A_92 = arith.constant 0 : i32
      %dma_start3A_93 = tpu.memref_slice %arg6[%arg0, %add3A_68, %dma_start3A_92] : memref<2x10240x128xf32, #tpu.memory_space<hbm>> -> memref<1x80x128xf32, #tpu.memory_space<hbm>>
      %dma_start3A_94 = tpu.memref_squeeze %dma_start3A_93 : memref<1x80x128xf32, #tpu.memory_space<hbm>> -> memref<80x128xf32, #tpu.memory_space<hbm>>
      tpu.enqueue_dma source(%arg13 : memref<80x128xf32, #tpu.memory_space<vmem>>) target(%dma_start3A_94 : memref<80x128xf32, #tpu.memory_space<hbm>>) target_semaphore(%run_scoped3A : memref<!tpu.dma_semaphore, #tpu.memory_space<semaphore_mem>>)
      %dma_wait3A = arith.constant 0 : i32
      %dma_wait3A_95 = tpu.memref_slice %arg6[%arg0, %add3A_68, %dma_wait3A] : memref<2x10240x128xf32, #tpu.memory_space<hbm>> -> memref<1x80x128xf32, #tpu.memory_space<hbm>>
      %dma_wait3A_96 = tpu.memref_squeeze %dma_wait3A_95 : memref<1x80x128xf32, #tpu.memory_space<hbm>> -> memref<80x128xf32, #tpu.memory_space<hbm>>
      %dma_wait3A_97 = arith.constant 0 : i32
      %dma_wait3A_98 = tpu.memref_slice %arg6[%arg0, %add3A_68, %dma_wait3A_97] : memref<2x10240x128xf32, #tpu.memory_space<hbm>> -> memref<1x80x128xf32, #tpu.memory_space<hbm>>
      %dma_wait3A_99 = tpu.memref_squeeze %dma_wait3A_98 : memref<1x80x128xf32, #tpu.memory_space<hbm>> -> memref<80x128xf32, #tpu.memory_space<hbm>>
      tpu.wait_dma2 semaphore(%run_scoped3A : memref<!tpu.dma_semaphore, #tpu.memory_space<semaphore_mem>>) src(%arg13 : memref<80x128xf32, #tpu.memory_space<vmem>>) dst(%dma_wait3A_99 : memref<80x128xf32, #tpu.memory_space<hbm>>)
      tpu.yield
    }) : () -> ()
    %mul3A_69 = arith.constant 640 : i32
    %mul3A_70 = arith.muli %arg1, %mul3A_69 : i32
    %add3A_71 = arith.constant 240 : i32
    %add3A_72 = arith.addi %mul3A_70, %add3A_71 : i32
    "tpu.region"() ({
      %run_scoped3A = tpu.sem_alloc : memref<!tpu.dma_semaphore, #tpu.memory_space<semaphore_mem>>
      %dma_start3A_89 = arith.constant 0 : i32
      %dma_start3A_90 = tpu.memref_slice %arg15[%add3A_72, %dma_start3A_89] : memref<10240x128xf32, #tpu.memory_space<vmem_shared>> -> memref<80x128xf32, #tpu.memory_space<vmem_shared>>
      %dma_start3A_91 = arith.constant 0 : i32
      %dma_start3A_92 = tpu.memref_slice %arg15[%add3A_72, %dma_start3A_91] : memref<10240x128xf32, #tpu.memory_space<vmem_shared>> -> memref<80x128xf32, #tpu.memory_space<vmem_shared>>
      tpu.enqueue_dma source(%dma_start3A_92 : memref<80x128xf32, #tpu.memory_space<vmem_shared>>) target(%arg13 : memref<80x128xf32, #tpu.memory_space<vmem>>) target_semaphore(%run_scoped3A : memref<!tpu.dma_semaphore, #tpu.memory_space<semaphore_mem>>)
      %dma_wait3A = arith.constant 0 : i32
      %dma_wait3A_93 = tpu.memref_slice %arg15[%add3A_72, %dma_wait3A] : memref<10240x128xf32, #tpu.memory_space<vmem_shared>> -> memref<80x128xf32, #tpu.memory_space<vmem_shared>>
      %dma_wait3A_94 = arith.constant 0 : i32
      %dma_wait3A_95 = tpu.memref_slice %arg15[%add3A_72, %dma_wait3A_94] : memref<10240x128xf32, #tpu.memory_space<vmem_shared>> -> memref<80x128xf32, #tpu.memory_space<vmem_shared>>
      tpu.wait_dma2 semaphore(%run_scoped3A : memref<!tpu.dma_semaphore, #tpu.memory_space<semaphore_mem>>) src(%dma_wait3A_95 : memref<80x128xf32, #tpu.memory_space<vmem_shared>>) dst(%arg13 : memref<80x128xf32, #tpu.memory_space<vmem>>)
      tpu.yield
    }) : () -> ()
    "tpu.region"() ({
      %run_scoped3A = tpu.sem_alloc : memref<!tpu.dma_semaphore, #tpu.memory_space<semaphore_mem>>
      %dma_start3A_89 = arith.constant 0 : i32
      %dma_start3A_90 = tpu.memref_slice %arg6[%arg0, %add3A_72, %dma_start3A_89] : memref<2x10240x128xf32, #tpu.memory_space<hbm>> -> memref<1x80x128xf32, #tpu.memory_space<hbm>>
      %dma_start3A_91 = tpu.memref_squeeze %dma_start3A_90 : memref<1x80x128xf32, #tpu.memory_space<hbm>> -> memref<80x128xf32, #tpu.memory_space<hbm>>
      %dma_start3A_92 = arith.constant 0 : i32
      %dma_start3A_93 = tpu.memref_slice %arg6[%arg0, %add3A_72, %dma_start3A_92] : memref<2x10240x128xf32, #tpu.memory_space<hbm>> -> memref<1x80x128xf32, #tpu.memory_space<hbm>>
      %dma_start3A_94 = tpu.memref_squeeze %dma_start3A_93 : memref<1x80x128xf32, #tpu.memory_space<hbm>> -> memref<80x128xf32, #tpu.memory_space<hbm>>
      tpu.enqueue_dma source(%arg13 : memref<80x128xf32, #tpu.memory_space<vmem>>) target(%dma_start3A_94 : memref<80x128xf32, #tpu.memory_space<hbm>>) target_semaphore(%run_scoped3A : memref<!tpu.dma_semaphore, #tpu.memory_space<semaphore_mem>>)
      %dma_wait3A = arith.constant 0 : i32
      %dma_wait3A_95 = tpu.memref_slice %arg6[%arg0, %add3A_72, %dma_wait3A] : memref<2x10240x128xf32, #tpu.memory_space<hbm>> -> memref<1x80x128xf32, #tpu.memory_space<hbm>>
      %dma_wait3A_96 = tpu.memref_squeeze %dma_wait3A_95 : memref<1x80x128xf32, #tpu.memory_space<hbm>> -> memref<80x128xf32, #tpu.memory_space<hbm>>
      %dma_wait3A_97 = arith.constant 0 : i32
      %dma_wait3A_98 = tpu.memref_slice %arg6[%arg0, %add3A_72, %dma_wait3A_97] : memref<2x10240x128xf32, #tpu.memory_space<hbm>> -> memref<1x80x128xf32, #tpu.memory_space<hbm>>
      %dma_wait3A_99 = tpu.memref_squeeze %dma_wait3A_98 : memref<1x80x128xf32, #tpu.memory_space<hbm>> -> memref<80x128xf32, #tpu.memory_space<hbm>>
      tpu.wait_dma2 semaphore(%run_scoped3A : memref<!tpu.dma_semaphore, #tpu.memory_space<semaphore_mem>>) src(%arg13 : memref<80x128xf32, #tpu.memory_space<vmem>>) dst(%dma_wait3A_99 : memref<80x128xf32, #tpu.memory_space<hbm>>)
      tpu.yield
    }) : () -> ()
    %mul3A_73 = arith.constant 640 : i32
    %mul3A_74 = arith.muli %arg1, %mul3A_73 : i32
    %add3A_75 = arith.constant 320 : i32
    %add3A_76 = arith.addi %mul3A_74, %add3A_75 : i32
    "tpu.region"() ({
      %run_scoped3A = tpu.sem_alloc : memref<!tpu.dma_semaphore, #tpu.memory_space<semaphore_mem>>
      %dma_start3A_89 = arith.constant 0 : i32
      %dma_start3A_90 = tpu.memref_slice %arg15[%add3A_76, %dma_start3A_89] : memref<10240x128xf32, #tpu.memory_space<vmem_shared>> -> memref<80x128xf32, #tpu.memory_space<vmem_shared>>
      %dma_start3A_91 = arith.constant 0 : i32
      %dma_start3A_92 = tpu.memref_slice %arg15[%add3A_76, %dma_start3A_91] : memref<10240x128xf32, #tpu.memory_space<vmem_shared>> -> memref<80x128xf32, #tpu.memory_space<vmem_shared>>
      tpu.enqueue_dma source(%dma_start3A_92 : memref<80x128xf32, #tpu.memory_space<vmem_shared>>) target(%arg13 : memref<80x128xf32, #tpu.memory_space<vmem>>) target_semaphore(%run_scoped3A : memref<!tpu.dma_semaphore, #tpu.memory_space<semaphore_mem>>)
      %dma_wait3A = arith.constant 0 : i32
      %dma_wait3A_93 = tpu.memref_slice %arg15[%add3A_76, %dma_wait3A] : memref<10240x128xf32, #tpu.memory_space<vmem_shared>> -> memref<80x128xf32, #tpu.memory_space<vmem_shared>>
      %dma_wait3A_94 = arith.constant 0 : i32
      %dma_wait3A_95 = tpu.memref_slice %arg15[%add3A_76, %dma_wait3A_94] : memref<10240x128xf32, #tpu.memory_space<vmem_shared>> -> memref<80x128xf32, #tpu.memory_space<vmem_shared>>
      tpu.wait_dma2 semaphore(%run_scoped3A : memref<!tpu.dma_semaphore, #tpu.memory_space<semaphore_mem>>) src(%dma_wait3A_95 : memref<80x128xf32, #tpu.memory_space<vmem_shared>>) dst(%arg13 : memref<80x128xf32, #tpu.memory_space<vmem>>)
      tpu.yield
    }) : () -> ()
    "tpu.region"() ({
      %run_scoped3A = tpu.sem_alloc : memref<!tpu.dma_semaphore, #tpu.memory_space<semaphore_mem>>
      %dma_start3A_89 = arith.constant 0 : i32
      %dma_start3A_90 = tpu.memref_slice %arg6[%arg0, %add3A_76, %dma_start3A_89] : memref<2x10240x128xf32, #tpu.memory_space<hbm>> -> memref<1x80x128xf32, #tpu.memory_space<hbm>>
      %dma_start3A_91 = tpu.memref_squeeze %dma_start3A_90 : memref<1x80x128xf32, #tpu.memory_space<hbm>> -> memref<80x128xf32, #tpu.memory_space<hbm>>
      %dma_start3A_92 = arith.constant 0 : i32
      %dma_start3A_93 = tpu.memref_slice %arg6[%arg0, %add3A_76, %dma_start3A_92] : memref<2x10240x128xf32, #tpu.memory_space<hbm>> -> memref<1x80x128xf32, #tpu.memory_space<hbm>>
      %dma_start3A_94 = tpu.memref_squeeze %dma_start3A_93 : memref<1x80x128xf32, #tpu.memory_space<hbm>> -> memref<80x128xf32, #tpu.memory_space<hbm>>
      tpu.enqueue_dma source(%arg13 : memref<80x128xf32, #tpu.memory_space<vmem>>) target(%dma_start3A_94 : memref<80x128xf32, #tpu.memory_space<hbm>>) target_semaphore(%run_scoped3A : memref<!tpu.dma_semaphore, #tpu.memory_space<semaphore_mem>>)
      %dma_wait3A = arith.constant 0 : i32
      %dma_wait3A_95 = tpu.memref_slice %arg6[%arg0, %add3A_76, %dma_wait3A] : memref<2x10240x128xf32, #tpu.memory_space<hbm>> -> memref<1x80x128xf32, #tpu.memory_space<hbm>>
      %dma_wait3A_96 = tpu.memref_squeeze %dma_wait3A_95 : memref<1x80x128xf32, #tpu.memory_space<hbm>> -> memref<80x128xf32, #tpu.memory_space<hbm>>
      %dma_wait3A_97 = arith.constant 0 : i32
      %dma_wait3A_98 = tpu.memref_slice %arg6[%arg0, %add3A_76, %dma_wait3A_97] : memref<2x10240x128xf32, #tpu.memory_space<hbm>> -> memref<1x80x128xf32, #tpu.memory_space<hbm>>
      %dma_wait3A_99 = tpu.memref_squeeze %dma_wait3A_98 : memref<1x80x128xf32, #tpu.memory_space<hbm>> -> memref<80x128xf32, #tpu.memory_space<hbm>>
      tpu.wait_dma2 semaphore(%run_scoped3A : memref<!tpu.dma_semaphore, #tpu.memory_space<semaphore_mem>>) src(%arg13 : memref<80x128xf32, #tpu.memory_space<vmem>>) dst(%dma_wait3A_99 : memref<80x128xf32, #tpu.memory_space<hbm>>)
      tpu.yield
    }) : () -> ()
    %mul3A_77 = arith.constant 640 : i32
    %mul3A_78 = arith.muli %arg1, %mul3A_77 : i32
    %add3A_79 = arith.constant 400 : i32
    %add3A_80 = arith.addi %mul3A_78, %add3A_79 : i32
    "tpu.region"() ({
      %run_scoped3A = tpu.sem_alloc : memref<!tpu.dma_semaphore, #tpu.memory_space<semaphore_mem>>
      %dma_start3A_89 = arith.constant 0 : i32
      %dma_start3A_90 = tpu.memref_slice %arg15[%add3A_80, %dma_start3A_89] : memref<10240x128xf32, #tpu.memory_space<vmem_shared>> -> memref<80x128xf32, #tpu.memory_space<vmem_shared>>
      %dma_start3A_91 = arith.constant 0 : i32
      %dma_start3A_92 = tpu.memref_slice %arg15[%add3A_80, %dma_start3A_91] : memref<10240x128xf32, #tpu.memory_space<vmem_shared>> -> memref<80x128xf32, #tpu.memory_space<vmem_shared>>
      tpu.enqueue_dma source(%dma_start3A_92 : memref<80x128xf32, #tpu.memory_space<vmem_shared>>) target(%arg13 : memref<80x128xf32, #tpu.memory_space<vmem>>) target_semaphore(%run_scoped3A : memref<!tpu.dma_semaphore, #tpu.memory_space<semaphore_mem>>)
      %dma_wait3A = arith.constant 0 : i32
      %dma_wait3A_93 = tpu.memref_slice %arg15[%add3A_80, %dma_wait3A] : memref<10240x128xf32, #tpu.memory_space<vmem_shared>> -> memref<80x128xf32, #tpu.memory_space<vmem_shared>>
      %dma_wait3A_94 = arith.constant 0 : i32
      %dma_wait3A_95 = tpu.memref_slice %arg15[%add3A_80, %dma_wait3A_94] : memref<10240x128xf32, #tpu.memory_space<vmem_shared>> -> memref<80x128xf32, #tpu.memory_space<vmem_shared>>
      tpu.wait_dma2 semaphore(%run_scoped3A : memref<!tpu.dma_semaphore, #tpu.memory_space<semaphore_mem>>) src(%dma_wait3A_95 : memref<80x128xf32, #tpu.memory_space<vmem_shared>>) dst(%arg13 : memref<80x128xf32, #tpu.memory_space<vmem>>)
      tpu.yield
    }) : () -> ()
    "tpu.region"() ({
      %run_scoped3A = tpu.sem_alloc : memref<!tpu.dma_semaphore, #tpu.memory_space<semaphore_mem>>
      %dma_start3A_89 = arith.constant 0 : i32
      %dma_start3A_90 = tpu.memref_slice %arg6[%arg0, %add3A_80, %dma_start3A_89] : memref<2x10240x128xf32, #tpu.memory_space<hbm>> -> memref<1x80x128xf32, #tpu.memory_space<hbm>>
      %dma_start3A_91 = tpu.memref_squeeze %dma_start3A_90 : memref<1x80x128xf32, #tpu.memory_space<hbm>> -> memref<80x128xf32, #tpu.memory_space<hbm>>
      %dma_start3A_92 = arith.constant 0 : i32
      %dma_start3A_93 = tpu.memref_slice %arg6[%arg0, %add3A_80, %dma_start3A_92] : memref<2x10240x128xf32, #tpu.memory_space<hbm>> -> memref<1x80x128xf32, #tpu.memory_space<hbm>>
      %dma_start3A_94 = tpu.memref_squeeze %dma_start3A_93 : memref<1x80x128xf32, #tpu.memory_space<hbm>> -> memref<80x128xf32, #tpu.memory_space<hbm>>
      tpu.enqueue_dma source(%arg13 : memref<80x128xf32, #tpu.memory_space<vmem>>) target(%dma_start3A_94 : memref<80x128xf32, #tpu.memory_space<hbm>>) target_semaphore(%run_scoped3A : memref<!tpu.dma_semaphore, #tpu.memory_space<semaphore_mem>>)
      %dma_wait3A = arith.constant 0 : i32
      %dma_wait3A_95 = tpu.memref_slice %arg6[%arg0, %add3A_80, %dma_wait3A] : memref<2x10240x128xf32, #tpu.memory_space<hbm>> -> memref<1x80x128xf32, #tpu.memory_space<hbm>>
      %dma_wait3A_96 = tpu.memref_squeeze %dma_wait3A_95 : memref<1x80x128xf32, #tpu.memory_space<hbm>> -> memref<80x128xf32, #tpu.memory_space<hbm>>
      %dma_wait3A_97 = arith.constant 0 : i32
      %dma_wait3A_98 = tpu.memref_slice %arg6[%arg0, %add3A_80, %dma_wait3A_97] : memref<2x10240x128xf32, #tpu.memory_space<hbm>> -> memref<1x80x128xf32, #tpu.memory_space<hbm>>
      %dma_wait3A_99 = tpu.memref_squeeze %dma_wait3A_98 : memref<1x80x128xf32, #tpu.memory_space<hbm>> -> memref<80x128xf32, #tpu.memory_space<hbm>>
      tpu.wait_dma2 semaphore(%run_scoped3A : memref<!tpu.dma_semaphore, #tpu.memory_space<semaphore_mem>>) src(%arg13 : memref<80x128xf32, #tpu.memory_space<vmem>>) dst(%dma_wait3A_99 : memref<80x128xf32, #tpu.memory_space<hbm>>)
      tpu.yield
    }) : () -> ()
    %mul3A_81 = arith.constant 640 : i32
    %mul3A_82 = arith.muli %arg1, %mul3A_81 : i32
    %add3A_83 = arith.constant 480 : i32
    %add3A_84 = arith.addi %mul3A_82, %add3A_83 : i32
    "tpu.region"() ({
      %run_scoped3A = tpu.sem_alloc : memref<!tpu.dma_semaphore, #tpu.memory_space<semaphore_mem>>
      %dma_start3A_89 = arith.constant 0 : i32
      %dma_start3A_90 = tpu.memref_slice %arg15[%add3A_84, %dma_start3A_89] : memref<10240x128xf32, #tpu.memory_space<vmem_shared>> -> memref<80x128xf32, #tpu.memory_space<vmem_shared>>
      %dma_start3A_91 = arith.constant 0 : i32
      %dma_start3A_92 = tpu.memref_slice %arg15[%add3A_84, %dma_start3A_91] : memref<10240x128xf32, #tpu.memory_space<vmem_shared>> -> memref<80x128xf32, #tpu.memory_space<vmem_shared>>
      tpu.enqueue_dma source(%dma_start3A_92 : memref<80x128xf32, #tpu.memory_space<vmem_shared>>) target(%arg13 : memref<80x128xf32, #tpu.memory_space<vmem>>) target_semaphore(%run_scoped3A : memref<!tpu.dma_semaphore, #tpu.memory_space<semaphore_mem>>)
      %dma_wait3A = arith.constant 0 : i32
      %dma_wait3A_93 = tpu.memref_slice %arg15[%add3A_84, %dma_wait3A] : memref<10240x128xf32, #tpu.memory_space<vmem_shared>> -> memref<80x128xf32, #tpu.memory_space<vmem_shared>>
      %dma_wait3A_94 = arith.constant 0 : i32
      %dma_wait3A_95 = tpu.memref_slice %arg15[%add3A_84, %dma_wait3A_94] : memref<10240x128xf32, #tpu.memory_space<vmem_shared>> -> memref<80x128xf32, #tpu.memory_space<vmem_shared>>
      tpu.wait_dma2 semaphore(%run_scoped3A : memref<!tpu.dma_semaphore, #tpu.memory_space<semaphore_mem>>) src(%dma_wait3A_95 : memref<80x128xf32, #tpu.memory_space<vmem_shared>>) dst(%arg13 : memref<80x128xf32, #tpu.memory_space<vmem>>)
      tpu.yield
    }) : () -> ()
    "tpu.region"() ({
      %run_scoped3A = tpu.sem_alloc : memref<!tpu.dma_semaphore, #tpu.memory_space<semaphore_mem>>
      %dma_start3A_89 = arith.constant 0 : i32
      %dma_start3A_90 = tpu.memref_slice %arg6[%arg0, %add3A_84, %dma_start3A_89] : memref<2x10240x128xf32, #tpu.memory_space<hbm>> -> memref<1x80x128xf32, #tpu.memory_space<hbm>>
      %dma_start3A_91 = tpu.memref_squeeze %dma_start3A_90 : memref<1x80x128xf32, #tpu.memory_space<hbm>> -> memref<80x128xf32, #tpu.memory_space<hbm>>
      %dma_start3A_92 = arith.constant 0 : i32
      %dma_start3A_93 = tpu.memref_slice %arg6[%arg0, %add3A_84, %dma_start3A_92] : memref<2x10240x128xf32, #tpu.memory_space<hbm>> -> memref<1x80x128xf32, #tpu.memory_space<hbm>>
      %dma_start3A_94 = tpu.memref_squeeze %dma_start3A_93 : memref<1x80x128xf32, #tpu.memory_space<hbm>> -> memref<80x128xf32, #tpu.memory_space<hbm>>
      tpu.enqueue_dma source(%arg13 : memref<80x128xf32, #tpu.memory_space<vmem>>) target(%dma_start3A_94 : memref<80x128xf32, #tpu.memory_space<hbm>>) target_semaphore(%run_scoped3A : memref<!tpu.dma_semaphore, #tpu.memory_space<semaphore_mem>>)
      %dma_wait3A = arith.constant 0 : i32
      %dma_wait3A_95 = tpu.memref_slice %arg6[%arg0, %add3A_84, %dma_wait3A] : memref<2x10240x128xf32, #tpu.memory_space<hbm>> -> memref<1x80x128xf32, #tpu.memory_space<hbm>>
      %dma_wait3A_96 = tpu.memref_squeeze %dma_wait3A_95 : memref<1x80x128xf32, #tpu.memory_space<hbm>> -> memref<80x128xf32, #tpu.memory_space<hbm>>
      %dma_wait3A_97 = arith.constant 0 : i32
      %dma_wait3A_98 = tpu.memref_slice %arg6[%arg0, %add3A_84, %dma_wait3A_97] : memref<2x10240x128xf32, #tpu.memory_space<hbm>> -> memref<1x80x128xf32, #tpu.memory_space<hbm>>
      %dma_wait3A_99 = tpu.memref_squeeze %dma_wait3A_98 : memref<1x80x128xf32, #tpu.memory_space<hbm>> -> memref<80x128xf32, #tpu.memory_space<hbm>>
      tpu.wait_dma2 semaphore(%run_scoped3A : memref<!tpu.dma_semaphore, #tpu.memory_space<semaphore_mem>>) src(%arg13 : memref<80x128xf32, #tpu.memory_space<vmem>>) dst(%dma_wait3A_99 : memref<80x128xf32, #tpu.memory_space<hbm>>)
      tpu.yield
    }) : () -> ()
    %mul3A_85 = arith.constant 640 : i32
    %mul3A_86 = arith.muli %arg1, %mul3A_85 : i32
    %add3A_87 = arith.constant 560 : i32
    %add3A_88 = arith.addi %mul3A_86, %add3A_87 : i32
    "tpu.region"() ({
      %run_scoped3A = tpu.sem_alloc : memref<!tpu.dma_semaphore, #tpu.memory_space<semaphore_mem>>
      %dma_start3A_89 = arith.constant 0 : i32
      %dma_start3A_90 = tpu.memref_slice %arg15[%add3A_88, %dma_start3A_89] : memref<10240x128xf32, #tpu.memory_space<vmem_shared>> -> memref<80x128xf32, #tpu.memory_space<vmem_shared>>
      %dma_start3A_91 = arith.constant 0 : i32
      %dma_start3A_92 = tpu.memref_slice %arg15[%add3A_88, %dma_start3A_91] : memref<10240x128xf32, #tpu.memory_space<vmem_shared>> -> memref<80x128xf32, #tpu.memory_space<vmem_shared>>
      tpu.enqueue_dma source(%dma_start3A_92 : memref<80x128xf32, #tpu.memory_space<vmem_shared>>) target(%arg13 : memref<80x128xf32, #tpu.memory_space<vmem>>) target_semaphore(%run_scoped3A : memref<!tpu.dma_semaphore, #tpu.memory_space<semaphore_mem>>)
      %dma_wait3A = arith.constant 0 : i32
      %dma_wait3A_93 = tpu.memref_slice %arg15[%add3A_88, %dma_wait3A] : memref<10240x128xf32, #tpu.memory_space<vmem_shared>> -> memref<80x128xf32, #tpu.memory_space<vmem_shared>>
      %dma_wait3A_94 = arith.constant 0 : i32
      %dma_wait3A_95 = tpu.memref_slice %arg15[%add3A_88, %dma_wait3A_94] : memref<10240x128xf32, #tpu.memory_space<vmem_shared>> -> memref<80x128xf32, #tpu.memory_space<vmem_shared>>
      tpu.wait_dma2 semaphore(%run_scoped3A : memref<!tpu.dma_semaphore, #tpu.memory_space<semaphore_mem>>) src(%dma_wait3A_95 : memref<80x128xf32, #tpu.memory_space<vmem_shared>>) dst(%arg13 : memref<80x128xf32, #tpu.memory_space<vmem>>)
      tpu.yield
    }) : () -> ()
    "tpu.region"() ({
      %run_scoped3A = tpu.sem_alloc : memref<!tpu.dma_semaphore, #tpu.memory_space<semaphore_mem>>
      %dma_start3A_89 = arith.constant 0 : i32
      %dma_start3A_90 = tpu.memref_slice %arg6[%arg0, %add3A_88, %dma_start3A_89] : memref<2x10240x128xf32, #tpu.memory_space<hbm>> -> memref<1x80x128xf32, #tpu.memory_space<hbm>>
      %dma_start3A_91 = tpu.memref_squeeze %dma_start3A_90 : memref<1x80x128xf32, #tpu.memory_space<hbm>> -> memref<80x128xf32, #tpu.memory_space<hbm>>
      %dma_start3A_92 = arith.constant 0 : i32
      %dma_start3A_93 = tpu.memref_slice %arg6[%arg0, %add3A_88, %dma_start3A_92] : memref<2x10240x128xf32, #tpu.memory_space<hbm>> -> memref<1x80x128xf32, #tpu.memory_space<hbm>>
      %dma_start3A_94 = tpu.memref_squeeze %dma_start3A_93 : memref<1x80x128xf32, #tpu.memory_space<hbm>> -> memref<80x128xf32, #tpu.memory_space<hbm>>
      tpu.enqueue_dma source(%arg13 : memref<80x128xf32, #tpu.memory_space<vmem>>) target(%dma_start3A_94 : memref<80x128xf32, #tpu.memory_space<hbm>>) target_semaphore(%run_scoped3A : memref<!tpu.dma_semaphore, #tpu.memory_space<semaphore_mem>>)
      %dma_wait3A = arith.constant 0 : i32
      %dma_wait3A_95 = tpu.memref_slice %arg6[%arg0, %add3A_88, %dma_wait3A] : memref<2x10240x128xf32, #tpu.memory_space<hbm>> -> memref<1x80x128xf32, #tpu.memory_space<hbm>>
      %dma_wait3A_96 = tpu.memref_squeeze %dma_wait3A_95 : memref<1x80x128xf32, #tpu.memory_space<hbm>> -> memref<80x128xf32, #tpu.memory_space<hbm>>
      %dma_wait3A_97 = arith.constant 0 : i32
      %dma_wait3A_98 = tpu.memref_slice %arg6[%arg0, %add3A_88, %dma_wait3A_97] : memref<2x10240x128xf32, #tpu.memory_space<hbm>> -> memref<1x80x128xf32, #tpu.memory_space<hbm>>
      %dma_wait3A_99 = tpu.memref_squeeze %dma_wait3A_98 : memref<1x80x128xf32, #tpu.memory_space<hbm>> -> memref<80x128xf32, #tpu.memory_space<hbm>>
      tpu.wait_dma2 semaphore(%run_scoped3A : memref<!tpu.dma_semaphore, #tpu.memory_space<semaphore_mem>>) src(%arg13 : memref<80x128xf32, #tpu.memory_space<vmem>>) dst(%dma_wait3A_99 : memref<80x128xf32, #tpu.memory_space<hbm>>)
      tpu.yield
    }) : () -> ()
    return
  }
}

module attributes {stable_mosaic.version = 14 : i64} {
  func.func @body(%arg0: i32, %arg1: memref<1000x128xf32, #tpu.memory_space<vmem>>, %arg2: memref<1000x128xf32, #tpu.memory_space<vmem>>, %arg3: memref<1000x128xf32, #tpu.memory_space<vmem>>) attributes {dimension_semantics = [#tpu.dimension_semantics<arbitrary>], iteration_bounds = array<i64: 10>, scalar_prefetch = 0 : i64, scratch_operands = 0 : i64, tpu.core_type = #tpu.core_type<tc>, window_params = [{transform_indices = @transform_0, window_bounds = array<i64: 1000, 128>}, {transform_indices = @transform_1, window_bounds = array<i64: 1000, 128>}, {transform_indices = @transform_2, window_bounds = array<i64: 1000, 128>}]} {
    %get3A = arith.constant 0 : index
    %get3A_0 = arith.constant 0 : index
    %get3A_1 = vector.load %arg1[%get3A, %get3A_0] : memref<1000x128xf32, #tpu.memory_space<vmem>>, vector<1000x128xf32>
    %get3A_2 = arith.constant 0 : index
    %get3A_3 = arith.constant 0 : index
    %get3A_4 = vector.load %arg2[%get3A_2, %get3A_3] : memref<1000x128xf32, #tpu.memory_space<vmem>>, vector<1000x128xf32>
    %add3A = arith.addf %get3A_1, %get3A_4 : vector<1000x128xf32>
    %swap3A = arith.constant 0 : index
    %swap3A_5 = arith.constant 0 : index
    %swap3A_6 = vector.load %arg3[%swap3A, %swap3A_5] : memref<1000x128xf32, #tpu.memory_space<vmem>>, vector<1000x128xf32>
    tpu.vector_store %arg3[%swap3A, %swap3A_5], %add3A {strides = array<i32>} : memref<1000x128xf32, #tpu.memory_space<vmem>>, vector<1000x128xf32>,
    return
  }
  func.func @transform_0(%arg0: i32) -> (i32, i32) {
    %c0_i32 = arith.constant 0 : i32
    %c0_i32_0 = arith.constant 0 : i32
    return %arg0, %c0_i32 : i32, i32
  }
  func.func @transform_1(%arg0: i32) -> (i32, i32) {
    %c0_i32 = arith.constant 0 : i32
    %c0_i32_0 = arith.constant 0 : i32
    return %arg0, %c0_i32 : i32, i32
  }
  func.func @transform_2(%arg0: i32) -> (i32, i32) {
    %c0_i32 = arith.constant 0 : i32
    %c0_i32_0 = arith.constant 0 : i32
    return %arg0, %c0_i32 : i32, i32
  }
}

</mosaic_0001>

<sc_bundles>
// kernel: kernel.4.cloned.1.call-start
scs
__scs_entry_jumppad:
0x0: {  	(pc) =	sbr.rel $0x88, $3  }
0x1: {  	(tag) =	ssettag $0x0;
	lr =	simm.s32 $0x1  }
0x2: {  	[smem:$0x3F9E] =	sst lr;
	_ =	strace $0xD0000000  }
0x3: {  	_ = 	snop  }
0x4: {  	_ = 	snop  }
0x5: {  	_ = 	snop  }
0x6: {  	_ = 	snop  }
0x7: {  	_ = 	snop  }
__scs_overlays_trampoline_lowered:
0x8: {  	[smem:$0x3FAD] =	sst s0  }
0x9: {  	[smem:$0x3FAE] =	sst s1  }
0xa: {  	[smem:$0x3FAF] =	sst s2  }
0xb: {  	[smem:$0x3FB0] =	sst s3  }
0xc: {  	[smem:$0x3FB1] =	sst s4  }
0xd: {  	[smem:$0x3FB2] =	sst s5  }
0xe: {  	[smem:$0x3FB3] =	sst s6  }
0xf: {  	[smem:$0x3FB4] =	sst s7  }
0x10: {  	[smem:$0x3FB5] =	sst s8  }
0x11: {  	[smem:$0x3FB6] =	sst s9;
	s0 =	simm.s32 @!p0 $0x0  }
0x12: {  	s1 =	sld [smem:$0x3F9C];
	s0 =	simm.s32 @p0 $0x1  }
0x13: {  	[smem:$0x3FB7] =	sst s0;
	s0 =	simm.s32 @!p1 $0x0  }
0x14: {  	s2 =	sld [smem:$0x3F9B];
	s0 =	simm.s32 @p1 $0x1  }
0x15: {  	[smem:$0x3FB8] =	sst s0;
	s0 =	simm.s32 @!p2 $0x0  }
0x16: {  	s3 =	sld [smem:$0x3FDB];
	s0 =	simm.s32 @p2 $0x1  }
0x17: {  	s4 =	simm.s32 $0x1BF5;
	[smem:$0x3FBA] =	sst s0  }
0x18: {  	s0 =	sld [smem:$0x3F9D];
	_ =	swait.ge [sflag:s4], $0x0  }
0x19: {  	s7 =	sld [smem:$0x3F9E]  }
0x1a: {  	s8 =	sadd.s32 $0xFFFFE003, lr  }
0x1b: {  	s9 =	sadd.s32 $0xFFFFFEF7, lr;
	s5 =	simm.s32 $0xFFFFFFFF;
	p2 =	slt.u32 s8, $0xFFFFF086  }
0x1c: {  	p1 =	slt.u32 s9, $0xF7A;
	s5 =	simm.s32 @!p2 $0x0  }
0x1d: {  	s5 =	simm.s32 @p1 $0x1;
	p0 =	seq.s32 s7, s2  }
0x1e: {  	s7 =	smul.u32 @!p0 $0xF7A, s2;
	p2 =	seq.s32 @!p0 s5, $0x0  }
0x1f: {  	s9 =	smul.u32 $0xF7A, s1;
	s8 =	simm.s32 @!p0 $0x1BF5;
	p2 =	por !p2, p0  }
0x20: {  	[sflag:s8] =	ssyncset.s32 @!p0 $0xFFFFF086;
	s6 =	sadd.s32 @!p0 s3, s7;
	s7 =	simm.s32 @!p0 $0x108  }
0x21: {  	s3 =	sadd.s32 s3, s9;
	s6 =	sadd.s32 @!p0 $0x88, s6;
	s7 =	simm.s32 @p2 $0x1082  }
0x22: {  	[simem:s7], [sflag:s8] =	dma.local @!p0 [hbm:s6], $0xF7A  }
0x23: {  	s9 =	sor.u32 $0xD0000000, s2;
	s6 =	simm.s32 $0x108;
	_ =	swait.ge @!p0 [sflag:s8], $0x0  }
0x24: {  	s3 =	sadd.s32 $0x88, s3;
	s6 =	simm.s32 @!p1 $0x1082;
	[sflag:s4] =	ssyncset.s32 $0xFFFFF086  }
0x25: {  	[simem:s6], [sflag:s4] =	dma.local [hbm:s3], $0xF7A  }
0x26: {  	[smem:$0x3F9E] =	sst s1;
	(tag) =	ssettag s2;
	_ =	strace s9  }
0x27: {  	s1 =	sld [smem:$0x3FAE]  }
0x28: {  	s2 =	sld [smem:$0x3FAF]  }
0x29: {  	s4 =	sld [smem:$0x3FB1]  }
0x2a: {  	p0 =	seq.s32 s5, $0x0;
	s5 =	sld [smem:$0x3FB2]  }
0x2b: {  	s6 =	sld [smem:$0x3FB3]  }
0x2c: {  	s7 =	sld [smem:$0x3FB4]  }
0x2d: {  	s3 =	simm.s32 $0x108;
	s8 =	sld [smem:$0x3FB5]  }
0x2e: {  	s3 =	simm.s32 @!p0 $0x1082;
	s9 =	sld [smem:$0x3FB6]  }
0x2f: {  	lr =	sadd.s32 s0, s3;
	s0 =	sld [smem:$0x3FAD]  }
0x30: {  	s3 =	sld [smem:$0x3FB0]  }
0x31: {  	[smem:$0x3FB9] =	sst s10  }
0x32: {  	s10 =	sld [smem:$0x3FB7];
	_ =	sdelay $0x3  }
0x33: {  	p0 =	seq.s32 s10, $0x1;
	s10 =	sld [smem:$0x3FB9];
	_ =	sdelay $0x3  }
0x34: {  	[smem:$0x3FB9] =	sst s10  }
0x35: {  	s10 =	sld [smem:$0x3FB8];
	_ =	sdelay $0x3  }
0x36: {  	p1 =	seq.s32 s10, $0x1;
	s10 =	sld [smem:$0x3FB9];
	_ =	sdelay $0x3  }
0x37: {  	[smem:$0x3FB9] =	sst s10  }
0x38: {  	s10 =	sld [smem:$0x3FBA]  }
0x39: {  	_ = 	snop;
	(pc) =	sbr.ind lr, $3  }
0x3a: {  	_ = 	snop  }
0x3b: {  	_ = 	snop  }
0x3c: {  	p2 =	seq.s32 s10, $0x1;
	s10 =	sld [smem:$0x3FB9]  }
0x3d: {  	_ =	shalt  }
0x3e: {  	_ =	shalt  }
0x3f: {  	_ =	shalt  }
0x40: {  	_ =	shalt  }
0x41: {  	_ =	shalt  }
0x42: {  	_ =	shalt  }
0x43: {  	_ =	shalt  }
0x44: {  	_ =	shalt  }
0x45: {  	_ =	shalt  }
0x46: {  	_ =	shalt  }
0x47: {  	_ =	shalt  }
0x48: {  	_ =	shalt  }
0x49: {  	_ =	shalt  }
0x4a: {  	_ =	shalt  }
0x4b: {  	_ =	shalt  }
0x4c: {  	_ =	shalt  }
0x4d: {  	_ =	shalt  }
0x4e: {  	_ =	shalt  }
0x4f: {  	_ =	shalt  }
0x50: {  	_ =	shalt  }
0x51: {  	_ =	shalt  }
0x52: {  	_ =	shalt  }
0x53: {  	_ =	shalt  }
0x54: {  	_ =	shalt  }
0x55: {  	_ =	shalt  }
0x56: {  	_ =	shalt  }
0x57: {  	_ =	shalt  }
0x58: {  	_ =	shalt  }
0x59: {  	_ =	shalt  }
0x5a: {  	_ =	shalt  }
0x5b: {  	_ =	shalt  }
0x5c: {  	_ =	shalt  }
0x5d: {  	_ =	shalt  }
0x5e: {  	_ =	shalt  }
0x5f: {  	_ =	shalt  }
0x60: {  	_ =	shalt  }
0x61: {  	_ =	shalt  }
0x62: {  	_ =	shalt  }
0x63: {  	_ =	shalt  }
0x64: {  	_ =	shalt  }
0x65: {  	_ =	shalt  }
0x66: {  	_ =	shalt  }
0x67: {  	_ =	shalt  }
0x68: {  	_ =	shalt  }
0x69: {  	_ =	shalt  }
0x6a: {  	_ =	shalt  }
0x6b: {  	_ =	shalt  }
0x6c: {  	_ =	shalt  }
0x6d: {  	_ =	shalt  }
0x6e: {  	_ =	shalt  }
0x6f: {  	_ =	shalt  }
0x70: {  	_ =	shalt  }
0x71: {  	_ =	shalt  }
0x72: {  	_ =	shalt  }
0x73: {  	_ =	shalt  }
0x74: {  	_ =	shalt  }
0x75: {  	_ =	shalt  }
0x76: {  	_ =	shalt  }
0x77: {  	_ =	shalt  }
0x78: {  	_ =	shalt  }
0x79: {  	_ =	shalt  }
0x7a: {  	_ =	shalt  }
0x7b: {  	_ =	shalt  }
0x7c: {  	_ =	shalt  }
0x7d: {  	_ =	shalt  }
0x7e: {  	_ =	shalt  }
0x7f: {  	_ =	shalt  }
0x80: {  	_ =	shalt  }
0x81: {  	_ =	shalt  }
0x82: {  	_ =	shalt  }
0x83: {  	_ =	shalt  }
0x84: {  	_ =	shalt  }
0x85: {  	_ =	shalt  }
0x86: {  	_ =	shalt  }
0x87: {  	_ =	shalt  }
.Lfunc_end0:
.L_simem_size_0:
called_computation_lowered:
.L_overlay_start_0:
0x88: {  	s2 =	sld [smem:$0x3FD9]  }
0x89: {  	s3 =	sld [smem:$0x3FFE];
	_ =	sdelay $0x1  }
0x8a: {  	s1 =	srdreg.scid  }
0x8b: {  	s0 =	sand.u32 $0x1, s1  }
0x8c: {  	s17 =	sshll.u32 s0, $0xA;
	s2 =	sadd.s32 s3, s2  }
0x8d: {  	s2 =	sadd.s32 s2, s17  }
0x8e: {  	[smem:$0x3FC5] =	sst s2  }
0x8f: {  	_ = 	snop  }
0x90: {  	s2 =	sld [smem:$0x3FC7]  }
0x91: {  	s18 =	sld [smem:$0x3FD0];
	(tm) =	ssettm $0x1  }
0x92: {  	s4 =	sld [smem:$0x3FFB];
	_ =	sdelay $0x3  }
0x93: {  	_ =	strace s4  }
0x94: {  	s4 =	sld [smem:$0x3FFC];
	_ =	sdelay $0x3  }
0x95: {  	_ =	strace s4  }
0x96: {  	s4 =	sld [smem:$0x3FFD];
	_ =	sdelay $0x3  }
0x97: {  	_ =	strace s4  }
0x98: {  	_ =	strace $0x8FFFFFFF  }
0x99: {  	s19 =	sld [smem:$0x3FDB];
	_ =	sdelay $0x1  }
0x9a: {  	s5 =	simm.s32 $_scs_section_size  }
0x9b: {  	s6 =	simm.s32 $_size__tile_overlayer_lowered;
	s7 =	simm.s32 $_tile_overlayer_lowered  }
0x9c: {  	s22 =	simm.s32 $0x1BFF;
	s21 =	sshll.u32 s7, $0x1;
	s4 =	sadd.s32 s5, s19  }
0x9d: {  	s8 =	simm.s32 $0x0;
	s20 =	sshll.u32 s6, $0x1;
	s6 =	sadd.s32 s21, s4  }
0x9e: {  	[timem:s8], [sflag:s22] =	dma.local [hbm:s6], s20  }
0x9f: {  	_ =	swait.ge [sflag:s22], s20  }
0xa0: {  	s5 =	ssub.s32 $0x0, s20;
	[sflag:s22] =	ssyncset.done $0x0  }
0xa1: {  	[sflag:s22] =	ssyncadd.s32 s5;
	_ =	sdelay $0x1  }
0xa2: {  	s23 =	simm.s32 $0x1B8B  }
0xa3: {  	_ =	swait.ge [sflag:s23], $0x1  }
0xa4: {  	[sflag:s23] =	ssyncset.done $0x0  }
0xa5: {  	s25 =	simm.s32 $0x1B8E;
	s24 =	sld [smem:$0x3FFE];
	[sflag:s23] =	ssyncadd.s32 $0xFFFFFFFF  }
0xa6: {  	s26 =	simm.s32 $execute0_lowered;
	[smem:$0x3FD2] =	sst s25  }
0xa7: {  	s6 =	sshll.u32 s26, $0x1;
	_ =	strace $0x80000046;
	[dreg:$0x1] =	wrdreg $0xFFFFFFFF  }
0xa8: {  	s28 =	simm.s32 $_size_execute0_lowered;
	s4 =	sadd.s32 s4, s6;
	[dreg:$0x0] =	wrdreg $0x0  }
0xa9: {  	s6 =	sshll.u32 s28, $0x1;
	[dreg:$0x2] =	wrdreg s4  }
0xaa: {  	[dreg:$0x3] =	wrdreg s6  }
0xab: {  	[dreg:$0x4] =	wrdreg $0xC0  }
0xac: {  	_ =	task [dreg:s8], $0x5FFFF  }
0xad: {  	[dreg:$0x1] =	wrdreg $0xFFFFFFFF  }
0xae: {  	[dreg:$0x0] =	wrdreg $0x60  }
0xaf: {  	[dreg:$0x2] =	wrdreg s24  }
0xb0: {  	[dreg:$0x3] =	wrdreg s18  }
0xb1: {  	[dreg:$0x4] =	wrdreg s2  }
0xb2: {  	[dreg:$0x5] =	wrdreg $0xA2000  }
0xb3: {  	[dreg:$0x6] =	wrdreg $0x9  }
0xb4: {  	_ =	task.clear_ibuf [dreg:s8], $0x7FFFF;
	_ =	strace $0x90000046  }
0xb5: {  	s29 =	simm.s32 $0x9;
	_ =	strace $0x80000048  }
0xb6: {  	_ =	swait.ge [sflag:s29], $0x1  }
0xb7: {  	[sflag:s29] =	ssyncadd.s32 $0xFFFFFFFF  }
0xb8: {  	_ =	strace $0x90000048  }
0xb9: {  	_ =	sfence  }
0xba: {  	s30 =	sld [smem:$0x0];
	_ =	sdelay $0x2  }
0xbb: {  	s31 =	sshll.u32 s1, $0xD;
	s1 =	sshrl.u32 s1, $0x2  }
0xbc: {  	s3 =	sand.u32 $0x4000, s31;
	s1 =	sadd.s32 s1, s30  }
0xbd: {  	s0 =	sor.u32 s3, s0;
	s1 =	sshll.u32 s1, $0x11  }
0xbe: {  	s0 =	sor.u32 s1, s0  }
0xbf: {  	s0 =	sadd.s32 $0x8F2B, s0  }
0xc0: {  	[sflag:s0] =	ssyncadd.remote.s32 $0x1  }
0xc1: {  	_ =	sfence.sel $0xFFFF  }
0xc2: {  	[dreg:$0x0] =	wrdreg $0xFFFFFFFF;
	(pc) =	sbr.abs _section_cstart, $3  }
0xc3: {  	[dreg:$0x1] =	wrdreg $0xFFFFFFFF  }
0xc4: {  	_ =	task.clear_ibuf [dreg:s8], $0x2FFFF;
	_ =	strace $0x9FFFFFFF  }
0xc5: {  	(tm) =	ssettm $0x7FFFFFFF  }
tec
execute0_lowered:
.L_overlay_start_1:
0x0: {  	(tag) =	ssettag $0x1  }
0x1: {  	s1 =	rddreg [dreg:$0x0]  }
0x2: {  	s2 =	rddreg [dreg:$0x1]  }
0x3: {  	s4 =	rddreg [dreg:$0x2]  }
0x4: {  	s5 =	rddreg [dreg:$0x3];
	s16 =	stileid.u32  }
0x5: {  	s0 =	srdreg.scid;
	s3 =	smul.u32 $0x50000, s16  }
0x6: {  	s6 =	simm.s32 $0x0;
	s31 =	simm.s32 $0x5200;
	s8 =	smul.u32 $0x14000, s16  }
0x7: {  	s0 =	sand.u32 $0x1, s0;
	[smem:$0x7FF] =	sst s6;
	s25 =	smul.u32 $0x2710, s16  }
0x8: {  	s9 =	sadd.s32 $0x4EBE00, s1;
	s7 =	ssub.s32 $0x2, s0;
	s14 =	smul.u32 $0x140000, s0  }
0x9: {  	_ =	strace $0x80000047;
	s0 =	smul.u32 $0x27100, s0;
	s10 =	sshrl.u32 s7, $0x1  }
0xa: {  	s3 =	sshrl.u32 s3, $0x2;
	s11 =	sor.u32 $0x2800, s8;
	s12 =	sadd.s32 $0x5000, s8  }
0xb: {  	s13 =	sadd.s32 $0x7800, s8;
	s15 =	sadd.s32 $0xA000, s8;
	s17 =	sadd.s32 $0xC800, s8  }
0xc: {  	s18 =	sadd.s32 $0xF000, s8;
	s10 =	ssub.s32 s7, s10;
	s26 =	sadd.s32 s8, s14  }
0xd: {  	s8 =	sadd.s32 $0x11800, s8;
	s19 =	sadd.s32 s14, s11;
	s7 =	sadd.s32 s25, s0  }
0xe: {  	s20 =	sadd.s32 s14, s13;
	s21 =	sadd.s32 s14, s15;
	s24 =	sadd.s32 s14, s17  }
0xf: {  	s25 =	sadd.s32 s14, s18;
	s28 =	sadd.s32 s11, s5;
	s15 =	sadd.s32 s15, s5  }
0x10: {  	s11 =	simm.s32 $0x180;
	s16 =	sshrl.u32 s26, $0x3;
	s23 =	sshrl.u32 s21, $0x3  }
0x11: {  	[dreg:$0xf] =	wrdreg s15;
	s21 =	sshll.u32 s7, $0x4;
	s30 =	sadd.s32 $0xA0, s7  }
0x12: {  	s15 =	simm.s32 $0x2;
	s29 =	sadd.s32 s9, s16;
	s16 =	sshrl.u32 s19, $0x3  }
0x13: {  	s19 =	sadd.s32 s14, s12;
	s14 =	sadd.s32 s14, s8;
	s12 =	sadd.s32 s12, s5  }
0x14: {  	[dreg:$0x5] =	wrdreg s29;
	s0 =	sadd.s32 s9, s16;
	s16 =	sshrl.u32 s20, $0x3  }
0x15: {  	s29 =	sshrl.u32 s14, $0x3;
	[dreg:$0xd] =	wrdreg s12;
	s14 =	sadd.s32 s13, s5  }
0x16: {  	s20 =	sshrl.u32 s7, $0x3;
	s12 =	simm.s32 $0x7A00;
	s13 =	simm.s32 $0x80  }
0x17: {  	[dreg:$0x6] =	wrdreg s0;
	s0 =	sshrl.u32 s19, $0x3;
	s22 =	sadd.s32 s9, s16  }
0x18: {  	s16 =	sshrl.u32 s25, $0x3;
	s19 =	sadd.s32 s3, s5;
	[dreg:$0xe] =	wrdreg s14  }
0x19: {  	s25 =	sadd.s32 s1, s20;
	s3 =	simm.s32 $0x100;
	s14 =	simm.s32 $0x2A00  }
0x1a: {  	s0 =	sadd.s32 s9, s0;
	[dreg:$0x8] =	wrdreg s22;
	s26 =	sadd.s32 s9, s16  }
0x1b: {  	s16 =	sadd.s32 $0x9E00, s1;
	s22 =	sadd.s32 s17, s5;
	[dreg:$0x10] =	wrdreg s25  }
0x1c: {  	s25 =	simm.s32 $0x3;
	[dreg:$0x7] =	wrdreg s0;
	s0 =	sadd.s32 s9, s23  }
0x1d: {  	[dreg:$0xb] =	wrdreg s26;
	s23 =	sadd.s32 s18, s5;
	s26 =	sadd.s32 s16, s21  }
0x1e: {  	[dreg:$0x9] =	wrdreg s0;
	s0 =	sshrl.u32 s24, $0x3;
	s24 =	sadd.s32 s8, s5  }
.Ltmp0:
0x1f: {  	[dreg:$0x12] =	wrdreg s26;
	s0 =	sadd.s32 s9, s0;
	(pc) =	sbr.rel .LBB2_1-.Ltmp0, $4  }
0x20: {  	s8 =	simm.s32 $0x200;
	[dreg:$0xa] =	wrdreg s0;
	s0 =	sadd.s32 s9, s29  }
0x21: {  	s26 =	simm.s32 $0x0;
	s29 =	smax.u32 s10, $0x1;
	[dreg:$0xc] =	wrdreg s0  }
0x22: {  	s9 =	simm.s32 $0x50;
	s0 =	sadd.s32 s2, s20;
	[dreg:$0x13] =	wrdreg s29  }
0x23: {  	v0 =	vimm.f32 $0.0e+00;
	s10 =	simm.s32 $0x4;
	[dreg:$0x11] =	wrdreg s0;
	s0 =	simm.s32 $0x5  }
.LBB2_13:
0x24: {  	[bflag:$0x0] =	sbarrier.arrive $0xFFFF  }
0x25: {  	[tilespmem:s31], [sflag:$0x5] =	stream.linear.gather [spmem:s20], $0x2800, $0x38;
	[tilespmem:$0x1E200] =	vst v63  }
0x26: {  	_ =	swait.ge [sflag:s0], $0x2800  }
0x27: {  	[sflag:s0] =	ssyncset.done $0x0  }
0x28: {  	s17 =	rddreg [dreg:$0x5];
	[sflag:s0] =	ssyncadd.s32 $0xFFFFD800  }
0x29: {  	[hbm4b:s17+s6] =	stream.linear.scatter [tilespmem:s31], [sflag:$0x5], $0x2800, $0x38;
	[tilespmem:$0x1E200] =	vst v63  }
0x2a: {  	_ =	swait.ge [sflag:s0], $0x2800  }
0x2b: {  	[sflag:s0] =	ssyncset.done $0x0  }
0x2c: {  	[sflag:s0] =	ssyncadd.s32 $0xFFFFD800  }
0x2d: {  	[tilespmem:s31], [sflag:$0x5] =	stream.linear.gather [spmem:s21], $0x2800, $0x38;
	[tilespmem:$0x1E200] =	vst v63  }
0x2e: {  	_ =	swait.ge [sflag:s0], $0x2800  }
0x2f: {  	[sflag:s0] =	ssyncset.done $0x0  }
0x30: {  	s19 =	smov.u32 s20;
	s20 =	rddreg [dreg:$0x6];
	[sflag:s0] =	ssyncadd.s32 $0xFFFFD800  }
0x31: {  	[hbm4b:s20+s6] =	stream.linear.scatter [tilespmem:s31], [sflag:$0x5], $0x2800, $0x38;
	[tilespmem:$0x1E200] =	vst v63  }
0x32: {  	_ =	swait.ge [sflag:s0], $0x2800  }
0x33: {  	[sflag:s0] =	ssyncset.done $0x0  }
0x34: {  	s28 =	smov.u32 s21;
	s21 =	rddreg [dreg:$0xd];
	[sflag:s0] =	ssyncadd.s32 $0xFFFFD800  }
0x35: {  	[tilespmem:s31], [sflag:$0x5] =	stream.linear.gather [spmem:s21], $0x2800, $0x38;
	[tilespmem:$0x1E200] =	vst v63  }
0x36: {  	_ =	swait.ge [sflag:s0], $0x2800  }
0x37: {  	[sflag:s0] =	ssyncset.done $0x0  }
0x38: {  	s29 =	rddreg [dreg:$0x7];
	[sflag:s0] =	ssyncadd.s32 $0xFFFFD800  }
0x39: {  	[hbm4b:s29+s6] =	stream.linear.scatter [tilespmem:s31], [sflag:$0x5], $0x2800, $0x38;
	[tilespmem:$0x1E200] =	vst v63  }
0x3a: {  	_ =	swait.ge [sflag:s0], $0x2800  }
0x3b: {  	[sflag:s0] =	ssyncset.done $0x0  }
0x3c: {  	s18 =	rddreg [dreg:$0xe];
	[sflag:s0] =	ssyncadd.s32 $0xFFFFD800  }
0x3d: {  	[tilespmem:s31], [sflag:$0x5] =	stream.linear.gather [spmem:s18], $0x2800, $0x38;
	[tilespmem:$0x1E200] =	vst v63  }
0x3e: {  	_ =	swait.ge [sflag:s0], $0x2800  }
0x3f: {  	[sflag:s0] =	ssyncset.done $0x0  }
0x40: {  	s20 =	rddreg [dreg:$0x8];
	[sflag:s0] =	ssyncadd.s32 $0xFFFFD800  }
0x41: {  	[hbm4b:s20+s6] =	stream.linear.scatter [tilespmem:s31], [sflag:$0x5], $0x2800, $0x38;
	[tilespmem:$0x1E200] =	vst v63  }
0x42: {  	_ =	swait.ge [sflag:s0], $0x2800  }
0x43: {  	[sflag:s0] =	ssyncset.done $0x0  }
0x44: {  	s21 =	rddreg [dreg:$0xf];
	[sflag:s0] =	ssyncadd.s32 $0xFFFFD800  }
0x45: {  	[tilespmem:s31], [sflag:$0x5] =	stream.linear.gather [spmem:s21], $0x2800, $0x38;
	[tilespmem:$0x1E200] =	vst v63  }
0x46: {  	_ =	swait.ge [sflag:s0], $0x2800  }
0x47: {  	[sflag:s0] =	ssyncset.done $0x0  }
0x48: {  	s29 =	rddreg [dreg:$0x9];
	[sflag:s0] =	ssyncadd.s32 $0xFFFFD800  }
0x49: {  	[hbm4b:s29+s6] =	stream.linear.scatter [tilespmem:s31], [sflag:$0x5], $0x2800, $0x38;
	[tilespmem:$0x1E200] =	vst v63  }
0x4a: {  	_ =	swait.ge [sflag:s0], $0x2800  }
0x4b: {  	[sflag:s0] =	ssyncset.done $0x0  }
0x4c: {  	[sflag:s0] =	ssyncadd.s32 $0xFFFFD800  }
0x4d: {  	[tilespmem:s31], [sflag:$0x5] =	stream.linear.gather [spmem:s22], $0x2800, $0x38;
	[tilespmem:$0x1E200] =	vst v63  }
0x4e: {  	_ =	swait.ge [sflag:s0], $0x2800  }
0x4f: {  	[sflag:s0] =	ssyncset.done $0x0  }
0x50: {  	s18 =	rddreg [dreg:$0xa];
	[sflag:s0] =	ssyncadd.s32 $0xFFFFD800  }
0x51: {  	[hbm4b:s18+s6] =	stream.linear.scatter [tilespmem:s31], [sflag:$0x5], $0x2800, $0x38;
	[tilespmem:$0x1E200] =	vst v63  }
0x52: {  	_ =	swait.ge [sflag:s0], $0x2800  }
0x53: {  	[sflag:s0] =	ssyncset.done $0x0  }
0x54: {  	[sflag:s0] =	ssyncadd.s32 $0xFFFFD800  }
0x55: {  	[tilespmem:s31], [sflag:$0x5] =	stream.linear.gather [spmem:s23], $0x2800, $0x38;
	[tilespmem:$0x1E200] =	vst v63  }
0x56: {  	_ =	swait.ge [sflag:s0], $0x2800  }
0x57: {  	[sflag:s0] =	ssyncset.done $0x0  }
0x58: {  	s20 =	rddreg [dreg:$0xb];
	[sflag:s0] =	ssyncadd.s32 $0xFFFFD800  }
0x59: {  	[hbm4b:s20+s6] =	stream.linear.scatter [tilespmem:s31], [sflag:$0x5], $0x2800, $0x38;
	[tilespmem:$0x1E200] =	vst v63  }
0x5a: {  	_ =	swait.ge [sflag:s0], $0x2800  }
0x5b: {  	[sflag:s0] =	ssyncset.done $0x0  }
0x5c: {  	[sflag:s0] =	ssyncadd.s32 $0xFFFFD800  }
0x5d: {  	[tilespmem:s31], [sflag:$0x5] =	stream.linear.gather [spmem:s24], $0x2800, $0x38;
	[tilespmem:$0x1E200] =	vst v63  }
0x5e: {  	_ =	swait.ge [sflag:s0], $0x2800  }
0x5f: {  	[sflag:s0] =	ssyncset.done $0x0  }
0x60: {  	s21 =	rddreg [dreg:$0xc];
	[sflag:s0] =	ssyncadd.s32 $0xFFFFD800  }
0x61: {  	[hbm4b:s21+s6] =	stream.linear.scatter [tilespmem:s31], [sflag:$0x5], $0x2800, $0x38;
	[tilespmem:$0x1E200] =	vst v63  }
0x62: {  	_ =	swait.ge [sflag:s0], $0x2800  }
0x63: {  	s26 =	sadd.s32 $0x1, s26;
	s29 =	rddreg [dreg:$0x13]  }
0x64: {  	p0 =	sne.s32 s26, s29  }
.Ltmp1:
0x65: {  	_ = 	snop;
	(pc) =	sbr.rel @!p0 .LBB2_14-.Ltmp1, $3  }
0x66: {  	_ =	sdelay $0x1  }
0x67: {  	[sflag:s0] =	ssyncset.done $0x0  }
0x68: {  	[sflag:s0] =	ssyncadd.s32 $0xFFFFD800  }
.LBB2_1:
0x69: {  	s17 =	simm.s32 $0x0;
	s18 =	simm.s32 $0x200  }
.LBB2_2:
0x6a: {  	p0 =	sne.s32 s18, $0x9E00;
	[tilespmem:s17+$0x5270] =	vst v0  }
0x6b: {  	[tilespmem:s17+$0x5200] =	vst v0  }
0x6c: {  	[tilespmem:s17+$0x5210] =	vst v0  }
.Ltmp2:
0x6d: {  	[tilespmem:s17+$0x5220] =	vst v0;
	(pc) =	sbr.rel @p0 .LBB2_2-.Ltmp2, $4  }
0x6e: {  	[tilespmem:s17+$0x5230] =	vst v0  }
0x6f: {  	[tilespmem:s17+$0x5240] =	vst v0  }
0x70: {  	[tilespmem:s17+$0x5250] =	vst v0  }
0x71: {  	[tilespmem:s17+$0x5260] =	vst v0;
	s17 =	sshra.s32 s18, $0x2;
	s18 =	sadd.s32 $0x200, s18  }
0x72: {  	[tilespmem:s17+$0x5270] =	vst v0  }
0x73: {  	[tilespmem:s17+$0x5200] =	vst v0  }
0x74: {  	[tilespmem:s17+$0x5210] =	vst v0  }
0x75: {  	[tilespmem:s17+$0x5220] =	vst v0  }
0x76: {  	[tilespmem:s17+$0x5230] =	vst v0  }
0x77: {  	[tilespmem:s17+$0x5240] =	vst v0  }
0x78: {  	[tilespmem:s17+$0x5250] =	vst v0  }
0x79: {  	[tilespmem:s17+$0x5260] =	vst v0  }
0x7a: {  	[spmem:s19] =	stream.linear.scatter [tilespmem:s31], [sflag:$0x5], $0x2800, $0x38;
	[tilespmem:$0x1E200] =	vst v63  }
0x7b: {  	_ =	swait.ge [sflag:s0], $0x2800  }
0x7c: {  	[sflag:s0] =	ssyncset.done $0x0  }
0x7d: {  	[sflag:s0] =	ssyncadd.s32 $0xFFFFD800  }
0x7e: {  	[spmem:s28] =	stream.linear.scatter [tilespmem:s31], [sflag:$0x5], $0x2800, $0x38;
	[tilespmem:$0x1E200] =	vst v63  }
0x7f: {  	_ =	swait.ge [sflag:s0], $0x2800  }
0x80: {  	[sflag:s0] =	ssyncset.done $0x0  }
0x81: {  	s18 =	rddreg [dreg:$0xd];
	[sflag:s0] =	ssyncadd.s32 $0xFFFFD800  }
0x82: {  	[spmem:s18] =	stream.linear.scatter [tilespmem:s31], [sflag:$0x5], $0x2800, $0x38;
	[tilespmem:$0x1E200] =	vst v63  }
0x83: {  	_ =	swait.ge [sflag:s0], $0x2800  }
0x84: {  	[sflag:s0] =	ssyncset.done $0x0  }
0x85: {  	s20 =	smov.u32 s19;
	s19 =	rddreg [dreg:$0xe];
	[sflag:s0] =	ssyncadd.s32 $0xFFFFD800  }
0x86: {  	[spmem:s19] =	stream.linear.scatter [tilespmem:s31], [sflag:$0x5], $0x2800, $0x38;
	[tilespmem:$0x1E200] =	vst v63  }
0x87: {  	_ =	swait.ge [sflag:s0], $0x2800  }
0x88: {  	[sflag:s0] =	ssyncset.done $0x0  }
0x89: {  	s29 =	rddreg [dreg:$0xf];
	[sflag:s0] =	ssyncadd.s32 $0xFFFFD800  }
0x8a: {  	[spmem:s29] =	stream.linear.scatter [tilespmem:s31], [sflag:$0x5], $0x2800, $0x38;
	[tilespmem:$0x1E200] =	vst v63  }
0x8b: {  	_ =	swait.ge [sflag:s0], $0x2800  }
0x8c: {  	[sflag:s0] =	ssyncset.done $0x0  }
0x8d: {  	[sflag:s0] =	ssyncadd.s32 $0xFFFFD800  }
0x8e: {  	[spmem:s22] =	stream.linear.scatter [tilespmem:s31], [sflag:$0x5], $0x2800, $0x38;
	[tilespmem:$0x1E200] =	vst v63  }
0x8f: {  	_ =	swait.ge [sflag:s0], $0x2800  }
0x90: {  	[sflag:s0] =	ssyncset.done $0x0  }
0x91: {  	[sflag:s0] =	ssyncadd.s32 $0xFFFFD800  }
0x92: {  	[spmem:s23] =	stream.linear.scatter [tilespmem:s31], [sflag:$0x5], $0x2800, $0x38;
	[tilespmem:$0x1E200] =	vst v63  }
0x93: {  	_ =	swait.ge [sflag:s0], $0x2800  }
0x94: {  	[sflag:s0] =	ssyncset.done $0x0  }
0x95: {  	[sflag:s0] =	ssyncadd.s32 $0xFFFFD800  }
0x96: {  	[spmem:s24] =	stream.linear.scatter [tilespmem:s31], [sflag:$0x5], $0x2800, $0x38;
	[tilespmem:$0x1E200] =	vst v63  }
0x97: {  	_ =	swait.ge [sflag:s0], $0x2800  }
0x98: {  	[sflag:s0] =	ssyncset.done $0x0  }
0x99: {  	[sflag:s0] =	ssyncadd.s32 $0xFFFFD800  }
0x9a: {  	[bflag:$0x0] =	sbarrier.arrive $0xFFFF  }
0x9b: {  	s21 =	smov.u32 s28;
	s28 =	simm.s32 $0x0;
	s18 =	rddreg [dreg:$0x10]  }
0x9c: {  	[tilespmem:s28], [sflag:$0x1] =	stream.linear.gather [hbm4b:s18+s28], $0x50, $0x38;
	[tilespmem:$0x1E200] =	vst v63  }
0x9d: {  	s19 =	rddreg [dreg:$0x11]  }
0x9e: {  	[tilespmem:s3], [sflag:$0x1] =	stream.linear.gather [hbm4b:s19+s28], $0x50, $0x38;
	[tilespmem:$0x1E200] =	vst v63  }
0x9f: {  	s29 =	rddreg [dreg:$0x12]  }
0xa0: {  	[tilespmem:s8], [sflag:$0x1] =	stream.linear.gather [hbm4b:s29+s28], $0x2800, $0x38;
	[tilespmem:$0x1E200] =	vst v63  }
.LBB2_4:
0xa1: {  	s17 =	simm.s32 $0x1  }
0xa2: {  	_ =	swait.ge [sflag:s17], $0x50  }
0xa3: {  	[sflag:s17] =	ssyncset.done $0x0  }
0xa4: {  	s29 =	sshll.u32 s28, $0x1;
	[sflag:s17] =	ssyncadd.s32 $0xFFFFFFB0  }
0xa5: {  	s18 =	sadd.s32 $0xFFFFFFFF, s29;
	_ =	swait.ge [sflag:s17], $0x50  }
0xa6: {  	p0 =	sgt.u32 s18, $0x7C;
	[sflag:s17] =	ssyncset.done $0x0  }
.Ltmp3:
0xa7: {  	[sflag:s17] =	ssyncadd.s32 $0xFFFFFFB0;
	(pc) =	sbr.rel @p0 .LBB2_8-.Ltmp3, $4  }
0xa8: {  	_ =	swait.ge [sflag:s17], $0x2800  }
0xa9: {  	[sflag:s17] =	ssyncset.done $0x0  }
0xaa: {  	[sflag:s17] =	ssyncadd.s32 $0xFFFFD800  }
0xab: {  	[tilespmem:s31], [sflag:$0x3] =	stream.indirect.gather [hbm4b:s4+s9], $0x80, s6, s9, $0xb8;
	[tilespmem:$0x1E200] =	vst v63  }
0xac: {  	_ =	swait.ge [sflag:s10], $0x2800  }
0xad: {  	[sflag:s10] =	ssyncset.done $0x0  }
0xae: {  	s17 =	simm.s32 $0x0;
	[sflag:s10] =	ssyncadd.s32 $0xFFFFD800  }
0xaf: {  	v1 =	vld [tilespmem:s17+$0x2A00]  }
0xb0: {  	v5 =	vld [tilespmem:s17+$0x7A00]  }
0xb1: {  	v7 =	vld [tilespmem:s17+$0x7A10]  }
0xb2: {  	v6 =	vld [tilespmem:s17+$0x7A20]  }
0xb3: {  	v4 =	vld [tilespmem:s17+$0x7A30]  }
0xb4: {  	v2 =	vld [tilespmem:s17+$0x7A40]  }
0xb5: {  	v3 =	vld [tilespmem:s17+$0x7A50];
	v8 =	vmul.f32 v5, v1  }
0xb6: {  	s18 =	simm.s32 $0x200;
	v7 =	vmul.f32 v7, v1;
	v5 =	vld [tilespmem:s17+$0x7A60]  }
.LBB2_6:
0xb7: {  	s19 =	sshra.s32 s18, $0x2;
	p0 =	sne.s32 s18, $0x9E00;
	[tilespmem:s17+$0x7A00] =	vst v8;
	v6 =	vmul.f32 v6, v1;
	v8 =	vld [tilespmem:s17+$0x7A70]  }
0xb8: {  	v9 =	vld [tilespmem:s19+$0x2A00];
	[tilespmem:s17+$0x7A10] =	vst v7;
	v4 =	vmul.f32 v4, v1  }
0xb9: {  	v7 =	vld [tilespmem:s19+$0x7A00];
	[tilespmem:s17+$0x7A20] =	vst v6;
	v2 =	vmul.f32 v2, v1  }
0xba: {  	v10 =	vld [tilespmem:s19+$0x7A10];
	[tilespmem:s17+$0x7A30] =	vst v4;
	v3 =	vmul.f32 v3, v1  }
.Ltmp4:
0xbb: {  	v6 =	vld [tilespmem:s19+$0x7A20];
	[tilespmem:s17+$0x7A40] =	vst v2;
	v5 =	vmul.f32 v5, v1;
	(pc) =	sbr.rel @p0 .LBB2_6-.Ltmp4, $4  }
0xbc: {  	v4 =	vld [tilespmem:s19+$0x7A30];
	[tilespmem:s17+$0x7A50] =	vst v3;
	v11 =	vmul.f32 v8, v1  }
0xbd: {  	v2 =	vld [tilespmem:s19+$0x7A40];
	[tilespmem:s17+$0x7A60] =	vst v5;
	v1 =	vmov v9  }
0xbe: {  	v8 =	vmul.f32 v7, v1;
	v3 =	vld [tilespmem:s19+$0x7A50];
	[tilespmem:s17+$0x7A70] =	vst v11;
	s17 =	smov.u32 s19  }
0xbf: {  	s18 =	sadd.s32 $0x200, s18;
	v7 =	vmul.f32 v10, v1;
	v5 =	vld [tilespmem:s17+$0x7A60]  }
0xc0: {  	[tilespmem:s17+$0x7A00] =	vst v8;
	v6 =	vmul.f32 v6, v1;
	v63 =	vld [tilespmem:s17+$0x7A70]  }
0xc1: {  	[tilespmem:s17+$0x7A10] =	vst v7;
	v4 =	vmul.f32 v4, v1  }
0xc2: {  	[tilespmem:s17+$0x7A20] =	vst v6;
	v2 =	vmul.f32 v2, v1  }
0xc3: {  	[tilespmem:s17+$0x7A30] =	vst v4;
	v3 =	vmul.f32 v3, v1  }
0xc4: {  	[tilespmem:s17+$0x7A40] =	vst v2;
	v2 =	vmul.f32 v5, v1  }
0xc5: {  	[tilespmem:s17+$0x7A50] =	vst v3;
	v1 =	vmul.f32 v63, v1  }
0xc6: {  	[tilespmem:s17+$0x7A60] =	vst v2  }
0xc7: {  	[tilespmem:s17+$0x7A70] =	vst v1;
	s17 =	sor.u32 $0x1, s29  }
0xc8: {  	p0 =	sgt.u32 s17, $0x7C  }
.Ltmp5:
0xc9: {  	_ = 	snop;
	(pc) =	sbr.rel @p0 .LBB2_9-.Ltmp5, $4  }
0xca: {  	[spmem:s5] =	stream.indirect.scatter.add.f32 [tilespmem:s12], [sflag:$0x5], $0x80, s11, s9, $0xb8;
	[tilespmem:$0x1E200] =	vst v63  }
0xcb: {  	_ =	swait.ge [sflag:s0], $0x2800  }
0xcc: {  	[sflag:s0] =	ssyncset.done $0x0  }
0xcd: {  	[sflag:s0] =	ssyncadd.s32 $0xFFFFD800  }
.LBB2_8:
0xce: {  	s17 =	smul.u32 $0x50, s17;
	_ =	sdelay $0x1  }
0xcf: {  	s17 =	sadd.s32 s7, s17  }
0xd0: {  	s18 =	sshrl.u32 s17, $0x3  }
0xd1: {  	s19 =	sadd.s32 s1, s18  }
0xd2: {  	[tilespmem:s13], [sflag:$0x2] =	stream.linear.gather [hbm4b:s19+s6], $0x50, $0x38;
	[tilespmem:$0x1E200] =	vst v63  }
0xd3: {  	s17 =	sshll.u32 s17, $0x4;
	s18 =	sadd.s32 s2, s18  }
0xd4: {  	[tilespmem:s11], [sflag:$0x2] =	stream.linear.gather [hbm4b:s18+s6], $0x50, $0x38;
	[tilespmem:$0x1E200] =	vst v63  }
0xd5: {  	s17 =	sadd.s32 s16, s17  }
0xd6: {  	[tilespmem:s14], [sflag:$0x2] =	stream.linear.gather [hbm4b:s17+s6], $0x2800, $0x38;
	[tilespmem:$0x1E200] =	vst v63  }
0xd7: {  	_ =	swait.ge [sflag:s15], $0x50  }
0xd8: {  	[sflag:s15] =	ssyncset.done $0x0  }
0xd9: {  	[sflag:s15] =	ssyncadd.s32 $0xFFFFFFB0  }
0xda: {  	_ =	swait.ge [sflag:s15], $0x50  }
0xdb: {  	[sflag:s15] =	ssyncset.done $0x0  }
0xdc: {  	[sflag:s15] =	ssyncadd.s32 $0xFFFFFFB0  }
0xdd: {  	_ =	swait.ge [sflag:s15], $0x2800  }
0xde: {  	[sflag:s15] =	ssyncset.done $0x0  }
0xdf: {  	[sflag:s15] =	ssyncadd.s32 $0xFFFFD800  }
0xe0: {  	[tilespmem:s12], [sflag:$0x4] =	stream.indirect.gather [hbm4b:s4+s9], $0x80, s13, s9, $0xb8;
	[tilespmem:$0x1E200] =	vst v63  }
.LBB2_9:
0xe1: {  	_ =	swait.ge [sflag:s25], $0x2800  }
0xe2: {  	[sflag:s25] =	ssyncset.done $0x0  }
0xe3: {  	s17 =	simm.s32 $0x0;
	[sflag:s25] =	ssyncadd.s32 $0xFFFFD800  }
0xe4: {  	v1 =	vld [tilespmem:s17+$0x200]  }
0xe5: {  	v5 =	vld [tilespmem:s17+$0x5200]  }
0xe6: {  	v7 =	vld [tilespmem:s17+$0x5210]  }
0xe7: {  	v6 =	vld [tilespmem:s17+$0x5220]  }
0xe8: {  	v4 =	vld [tilespmem:s17+$0x5230]  }
0xe9: {  	v2 =	vld [tilespmem:s17+$0x5240]  }
0xea: {  	v3 =	vld [tilespmem:s17+$0x5250];
	v8 =	vmul.f32 v5, v1  }
0xeb: {  	s18 =	simm.s32 $0x200;
	v7 =	vmul.f32 v7, v1;
	v5 =	vld [tilespmem:s17+$0x5260]  }
.LBB2_10:
0xec: {  	s19 =	sshra.s32 s18, $0x2;
	p0 =	sne.s32 s18, $0x9E00;
	[tilespmem:s17+$0x5200] =	vst v8;
	v6 =	vmul.f32 v6, v1;
	v8 =	vld [tilespmem:s17+$0x5270]  }
0xed: {  	v9 =	vld [tilespmem:s19+$0x200];
	[tilespmem:s17+$0x5210] =	vst v7;
	v4 =	vmul.f32 v4, v1  }
0xee: {  	v7 =	vld [tilespmem:s19+$0x5200];
	[tilespmem:s17+$0x5220] =	vst v6;
	v2 =	vmul.f32 v2, v1  }
0xef: {  	v10 =	vld [tilespmem:s19+$0x5210];
	[tilespmem:s17+$0x5230] =	vst v4;
	v3 =	vmul.f32 v3, v1  }
.Ltmp6:
0xf0: {  	v6 =	vld [tilespmem:s19+$0x5220];
	[tilespmem:s17+$0x5240] =	vst v2;
	v5 =	vmul.f32 v5, v1;
	(pc) =	sbr.rel @p0 .LBB2_10-.Ltmp6, $4  }
0xf1: {  	v4 =	vld [tilespmem:s19+$0x5230];
	[tilespmem:s17+$0x5250] =	vst v3;
	v11 =	vmul.f32 v8, v1  }
0xf2: {  	v2 =	vld [tilespmem:s19+$0x5240];
	[tilespmem:s17+$0x5260] =	vst v5;
	v1 =	vmov v9  }
0xf3: {  	v8 =	vmul.f32 v7, v1;
	v3 =	vld [tilespmem:s19+$0x5250];
	[tilespmem:s17+$0x5270] =	vst v11;
	s17 =	smov.u32 s19  }
0xf4: {  	s18 =	sadd.s32 $0x200, s18;
	v7 =	vmul.f32 v10, v1;
	v5 =	vld [tilespmem:s17+$0x5260]  }
0xf5: {  	[tilespmem:s17+$0x5200] =	vst v8;
	v6 =	vmul.f32 v6, v1;
	v63 =	vld [tilespmem:s17+$0x5270]  }
0xf6: {  	[tilespmem:s17+$0x5210] =	vst v7;
	v4 =	vmul.f32 v4, v1  }
0xf7: {  	[tilespmem:s17+$0x5220] =	vst v6;
	v2 =	vmul.f32 v2, v1  }
0xf8: {  	[tilespmem:s17+$0x5230] =	vst v4;
	v3 =	vmul.f32 v3, v1  }
0xf9: {  	[tilespmem:s17+$0x5240] =	vst v2;
	v2 =	vmul.f32 v5, v1  }
0xfa: {  	[tilespmem:s17+$0x5250] =	vst v3;
	v1 =	vmul.f32 v63, v1  }
0xfb: {  	p0 =	seq.s32 s28, $0x3E;
	[tilespmem:s17+$0x5260] =	vst v2  }
.Ltmp7:
0xfc: {  	[tilespmem:s17+$0x5270] =	vst v1;
	(pc) =	sbr.rel @p0 .LBB2_13-.Ltmp7, $4  }
0xfd: {  	[spmem:s5] =	stream.indirect.scatter.add.f32 [tilespmem:s31], [sflag:$0x5], $0x80, s3, s9, $0xb8;
	[tilespmem:$0x1E200] =	vst v63  }
0xfe: {  	_ =	swait.ge [sflag:s0], $0x2800  }
0xff: {  	[sflag:s0] =	ssyncset.done $0x0  }
0x100: {  	[sflag:s0] =	ssyncadd.s32 $0xFFFFD800  }
0x101: {  	s17 =	smul.u32 $0xA0, s28;
	_ =	sdelay $0x1  }
0x102: {  	s17 =	sadd.s32 s17, s30  }
0x103: {  	s18 =	sshrl.u32 s17, $0x3  }
0x104: {  	s19 =	sadd.s32 s1, s18  }
0x105: {  	[tilespmem:s6], [sflag:$0x1] =	stream.linear.gather [hbm4b:s19+s6], $0x50, $0x38;
	[tilespmem:$0x1E200] =	vst v63  }
.Ltmp8:
0x106: {  	_ = 	snop;
	(pc) =	sbr.rel .LBB2_4-.Ltmp8, $4  }
0x107: {  	s17 =	sshll.u32 s17, $0x4;
	s18 =	sadd.s32 s2, s18  }
0x108: {  	[tilespmem:s3], [sflag:$0x1] =	stream.linear.gather [hbm4b:s18+s6], $0x50, $0x38;
	[tilespmem:$0x1E200] =	vst v63  }
0x109: {  	s28 =	sadd.s32 $0x1, s28;
	s17 =	sadd.s32 s16, s17  }
0x10a: {  	[tilespmem:s8], [sflag:$0x1] =	stream.linear.gather [hbm4b:s17+s6], $0x2800, $0x38;
	[tilespmem:$0x1E200] =	vst v63  }
.LBB2_14:
0x10b: {  	_ =	sfence.sel $0x180000  }
0x10c: {  	[bflag:$0x0] =	sbarrier.arrive $0xFFFF  }
0x10d: {  	_ =	strace $0x90000047  }
0x10e: {  	s0 =	stileid.u32;
	[bflag:$0x2] =	sbarrier.arrive $0xFFFF  }
0x10f: {  	p0 =	sne.s32 s0, $0x0;
	s0 =	rddreg [dreg:$0x4]  }
0x110: {  	s0 =	sadd.s32 @!p0 $0x100000, s0  }
0x111: {  	[sflag:s0] =	ssyncadd.tile.s32 @!p0 $0x1;
	_ =	shalt  }
.Lfunc_end2:
_tile_overlayer_lowered:
.L_overlay_start_2:
0x112: {  	(tag) =	ssettag $0x2  }
0x113: {  	s0 =	rddreg [dreg:$0x0];
	s2 =	stileid.u32  }
0x114: {  	s1 =	rddreg [dreg:$0x1];
	p0 =	sne.s32 s2, $0x0  }
0x115: {  	s3 =	rddreg [dreg:$0x2];
	[bflag:$0x3] =	sbarrier.arrive $0xFFFF;
	s2 =	simm.s32 @!p0 $0x1C05  }
0x116: {  	[timem:s3], [sflag:s2] =	dma.local @!p0 [hbm:s0], s1  }
0x117: {  	s0 =	simm.s32 @!p0 $0x5  }
0x118: {  	_ =	swait.ge @!p0 [sflag:s0], s1  }
0x119: {  	s1 =	ssub.s32 @!p0 $0x0, s1;
	[sflag:s0] =	ssyncset.done @!p0 $0x0  }
0x11a: {  	[sflag:s0] =	ssyncadd.s32 @!p0 s1  }
0x11b: {  	[bflag:$0x3] =	sbarrier.arrive $0xFFFF  }
0x11c: {  	_ =	shalt  }

</sc_bundles>
